<compile_context>
chip_gen: v7x
topology: tpu7x:2x2x1
jax: 0.10.2.dev20260603
libtpu: 0.0.44.dev20260713+nightly
codegen_flags: <defaults>
</compile_context>

<pallas_src>
import functools

import jax
import jax.numpy as jnp
from jax import lax
from jax.experimental import pallas as pl
from jax.experimental.pallas import tpu as pltpu
from jax.experimental.pallas import tpu_sc as plsc

_NC = 2
_NS = 16
_NW = _NC * _NS
_DEGW = 128
_DS = 128


def _make_sc_gather_scatter_add(nsplit, e, n_dst_pad, k):
    e_per_w = e // _NW
    chunks = e_per_w // k
    assert e_per_w * _NW == e and chunks * k == e_per_w and chunks % 2 == 0
    assert k <= 128 and k % 8 == 0
    rpt = n_dst_pad // _NS
    assert rpt * _NS == n_dst_pad and rpt % 8 == 0

    mesh = plsc.VectorSubcoreMesh(core_axis_name="c", subcore_axis_name="s")

    @functools.partial(
        pl.kernel,
        mesh=mesh,
        out_type=(
            [jax.ShapeDtypeStruct((_NC * n_dst_pad, _DS), jnp.float32)] * nsplit
            + [jax.ShapeDtypeStruct((_NC * n_dst_pad, _DEGW), jnp.float32)]
        ),
        scratch_types=(
            [pltpu.VMEM((chunks, k), jnp.int32)] * 2
            + [pltpu.VMEM((k, _DS), jnp.float32)] * (2 * nsplit)
            + [pltpu.VMEM((k, _DEGW), jnp.float32)]
            + [pltpu.VMEM_SHARED((n_dst_pad, _DS), jnp.float32)] * nsplit
            + [pltpu.VMEM_SHARED((n_dst_pad, _DEGW), jnp.float32)]
            + [pltpu.SemaphoreType.DMA] * (4 * nsplit + 2)
        ),
    )
    def kfn(src3_hbm, dst3_hbm, *rest):
        tables = rest[:nsplit]
        zrow_hbm, zdeg_hbm, ones_hbm = rest[nsplit:nsplit + 3]
        sums = rest[nsplit + 3:2 * nsplit + 3]
        deg_hbm = rest[2 * nsplit + 3]
        scr = rest[2 * nsplit + 4:]
        src2d, dst2d = scr[0], scr[1]
        rows = [[scr[2 + 2 * p], scr[3 + 2 * p]] for p in range(nsplit)]
        ones_v = scr[2 + 2 * nsplit]
        accs = scr[3 + 2 * nsplit:3 + 3 * nsplit]
        dacc_sh = scr[3 + 3 * nsplit]
        sems = scr[4 + 3 * nsplit:]
        gsem = [[sems[2 * p], sems[2 * p + 1]] for p in range(nsplit)]
        ssem = [[sems[2 * nsplit + 2 * p], sems[2 * nsplit + 2 * p + 1]]
                for p in range(nsplit)]
        dsem = sems[4 * nsplit:4 * nsplit + 2]

        c = lax.axis_index("c")
        s = lax.axis_index("s")
        wid = s * _NC + c

        pltpu.sync_copy(src3_hbm.at[wid], src2d)
        pltpu.sync_copy(dst3_hbm.at[wid], dst2d)
        pltpu.sync_copy(ones_hbm, ones_v)

        for acc in accs:
            pltpu.sync_copy(zrow_hbm.at[pl.ds(s * rpt, rpt)],
                            acc.at[pl.ds(s * rpt, rpt)])
        pltpu.sync_copy(zdeg_hbm.at[pl.ds(s * rpt, rpt)],
                        dacc_sh.at[pl.ds(s * rpt, rpt)])

        plsc.subcore_barrier()

        for p in range(nsplit):
            pltpu.async_copy(tables[p].at[src2d.at[0]], rows[p][0], gsem[p][0])

        def pair_body(t, carry):
            for b in (0, 1):
                i = 2 * t + b
                for p in range(nsplit):
                    pltpu.make_async_copy(
                        tables[p].at[src2d.at[i]], rows[p][b], gsem[p][b]
                    ).wait()
                @pl.when(i >= 1)
                def _():
                    for p in range(nsplit):
                        pltpu.make_async_copy(
                            rows[p][1 - b], accs[p].at[dst2d.at[i]],
                            ssem[p][1 - b]
                        ).wait()
                @pl.when(i + 1 < chunks)
                def _():
                    for p in range(nsplit):
                        pltpu.async_copy(
                            tables[p].at[src2d.at[i + 1]], rows[p][1 - b],
                            gsem[p][1 - b]
                        )
                for p in range(nsplit):
                    pltpu.async_copy(rows[p][b], accs[p].at[dst2d.at[i]],
                                     ssem[p][b], add=True)
                @pl.when(i >= 2)
                def _():
                    pltpu.make_async_copy(
                        ones_v, dacc_sh.at[dst2d.at[i]], dsem[b]
                    ).wait()
                pltpu.async_copy(ones_v, dacc_sh.at[dst2d.at[i]], dsem[b],
                                 add=True)
            return carry
        lax.fori_loop(0, chunks // 2, pair_body, 0)

        for p in range(nsplit):
            pltpu.make_async_copy(rows[p][1], accs[p].at[dst2d.at[0]],
                                  ssem[p][1]).wait()
        for b in (0, 1):
            pltpu.make_async_copy(ones_v, dacc_sh.at[dst2d.at[0]],
                                  dsem[b]).wait()

        plsc.subcore_barrier()

        row0 = c * n_dst_pad + s * rpt
        for acc, sum_hbm in zip(accs, sums):
            pltpu.sync_copy(acc.at[pl.ds(s * rpt, rpt)],
                            sum_hbm.at[pl.ds(row0, rpt)])
        pltpu.sync_copy(dacc_sh.at[pl.ds(s * rpt, rpt)],
                        deg_hbm.at[pl.ds(row0, rpt)])

    return kfn


_K1, _K2 = 40, 48
_E1P = 320000
_E2P = 36864
_L1CH = _E1P // _NW // _K1
_L2CH = _E2P // _NW // _K2
_sc_layer1 = _make_sc_gather_scatter_add(nsplit=1, e=_E1P, n_dst_pad=2048, k=_K1)
_sc_layer2 = _make_sc_gather_scatter_add(nsplit=2, e=_E2P, n_dst_pad=512, k=_K2)


def _tc_layer(n, n_pad, h_dst, psums, pdeg, w_self, w_neigh, b):
    d_out = w_self.shape[1]
    nsplit = len(psums)

    def body(*refs):
        hd_ref = refs[0]
        p_refs = refs[1:1 + nsplit]
        dg_ref, ws_ref, wn_ref, b_ref, o_ref = refs[1 + nsplit:]
        hd = hd_ref[...]
        sums = jnp.concatenate(
            [p[...][0:n] + p[...][n_pad:n_pad + n] for p in p_refs], axis=1)
        degs = dg_ref[...][:, 0:1]
        deg = degs[0:n] + degs[n_pad:n_pad + n]
        neigh = sums / jnp.maximum(deg, 1.0)
        z = (jnp.dot(hd, ws_ref[...], preferred_element_type=jnp.float32,
                     precision=lax.Precision.HIGHEST)
             + jnp.dot(neigh, wn_ref[...], preferred_element_type=jnp.float32,
                       precision=lax.Precision.HIGHEST)
             + b_ref[...])
        scale = jnp.mean(jnp.sqrt(jnp.sum(hd * hd, axis=1, keepdims=True)))
        inv = lax.rsqrt(jnp.sum(z * z, axis=1, keepdims=True))
        zn = z * (scale * inv)
        o_ref[...] = jnp.where(zn >= 0, zn, zn * 0.01)

    return pl.pallas_call(
        body,
        out_shape=jax.ShapeDtypeStruct((n, d_out), jnp.float32),
    )(h_dst, *psums, pdeg, w_self, w_neigh, b.reshape(1, d_out))


def _pad_edges(src, dst, e_pad, dummy_dst, ch, k):
    npad = e_pad - src.shape[0]
    if npad:
        src = jnp.concatenate([src, jnp.zeros((npad,), jnp.int32)])
        dst = jnp.concatenate([dst, jnp.full((npad,), dummy_dst, jnp.int32)])
    return src.reshape(_NW, ch, k), dst.reshape(_NW, ch, k)


def kernel(x, edge_src1, edge_dst1, edge_src2, edge_dst2, num_dst1, num_dst2,
           W_self1, W_neigh1, b1, W_self2, W_neigh2, b2):
    N1, N2 = 2000, 500
    NP1, NP2 = 2048, 512

    h_dst1 = lax.dynamic_slice_in_dim(x, num_dst1 - N1, N1, axis=0)
    zrow1 = jnp.zeros((NP1, _DS), jnp.float32)
    zdeg1 = jnp.zeros((NP1, _DEGW), jnp.float32)
    ones1 = jnp.ones((_K1, _DEGW), jnp.float32)
    src1_3, dst1_3 = _pad_edges(edge_src1, edge_dst1, _E1P, NP1 - 1, _L1CH, _K1)
    sum1, deg1 = _sc_layer1(src1_3, dst1_3, x, zrow1, zdeg1, ones1)
    h1 = _tc_layer(N1, NP1, h_dst1, [sum1], deg1, W_self1, W_neigh1, b1)

    h_dst2 = lax.dynamic_slice_in_dim(h1, num_dst2 - N2, N2, axis=0)
    zrow2 = jnp.zeros((NP2, _DS), jnp.float32)
    zdeg2 = jnp.zeros((NP2, _DEGW), jnp.float32)
    ones2 = jnp.ones((_K2, _DEGW), jnp.float32)
    src2_3, dst2_3 = _pad_edges(edge_src2, edge_dst2, _E2P, NP2 - 1, _L2CH, _K2)
    h1_lo = h1[:, :_DS]
    h1_hi = h1[:, _DS:]
    sum2a, sum2b, deg2 = _sc_layer2(src2_3, dst2_3, h1_lo, h1_hi,
                                    zrow2, zdeg2, ones2)
    out = _tc_layer(N2, NP2, h_dst2, [sum2a, sum2b], deg2,
                    W_self2, W_neigh2, b2)
    return out

# --- scband reference (transcript-rebuilt; emitter-appended) ---
"""Pipeline reference for scband-graph-sage-26319559590589 (READ-ONLY COPY).

The authoritative reference and input builder live on the scoring server;
editing this copy changes nothing except your own understanding.
"""

import jax, jax.numpy as jnp
import numpy as np


def _sage_mean_layer(src_idx, dst_idx, num_dst, h_src, h_dst, W_self, W_neigh, b):
    # DGL SAGEConv('mean') on a bipartite MFG block:
    # out = fc_self(h_dst) + fc_neigh(mean_{u in N(v)} h_src[u]) + bias
    msg = h_src[src_idx]  # gather src features per edge
    deg = jax.ops.segment_sum(jnp.ones(src_idx.shape[0], dtype=h_src.dtype), dst_idx, num_segments=num_dst)
    neigh_sum = jax.ops.segment_sum(msg, dst_idx, num_segments=num_dst)
    neigh = neigh_sum / jnp.maximum(deg, 1.0)[:, None]
    return h_dst @ W_self + neigh @ W_neigh + b


def setup_inputs(seed: int = 0) -> dict:
    key = jax.random.key(seed)
    ks = jax.random.split(key, 12)
    N0, N1, N2 = 10000, 2000, 500
    E1, E2 = 320000, 32000
    d_in, d_h, d_out = 128, 256, 32
    x = jax.random.normal(ks[0], (N0, d_in), dtype=jnp.float32)
    edge_src1 = jax.random.randint(ks[1], (E1,), 0, N0, dtype=jnp.int32)
    edge_dst1 = jax.random.randint(ks[2], (E1,), 0, N1, dtype=jnp.int32)
    edge_src2 = jax.random.randint(ks[3], (E2,), 0, N1, dtype=jnp.int32)
    edge_dst2 = jax.random.randint(ks[4], (E2,), 0, N2, dtype=jnp.int32)
    W_self1 = jax.random.normal(ks[5], (d_in, d_h), dtype=jnp.float32) / np.sqrt(d_in)
    W_neigh1 = jax.random.normal(ks[6], (d_in, d_h), dtype=jnp.float32) / np.sqrt(d_in)
    b1 = jnp.zeros((d_h,), dtype=jnp.float32)
    W_self2 = jax.random.normal(ks[7], (d_h, d_out), dtype=jnp.float32) / np.sqrt(d_h)
    W_neigh2 = jax.random.normal(ks[8], (d_h, d_out), dtype=jnp.float32) / np.sqrt(d_h)
    b2 = jnp.zeros((d_out,), dtype=jnp.float32)
    return {
        "x": x,
        "edge_src1": edge_src1, "edge_dst1": edge_dst1,
        "edge_src2": edge_src2, "edge_dst2": edge_dst2,
        "num_dst1": N1, "num_dst2": N2,
        "W_self1": W_self1, "W_neigh1": W_neigh1, "b1": b1,
        "W_self2": W_self2, "W_neigh2": W_neigh2, "b2": b2,
    }


def reference(x, edge_src1, edge_dst1, edge_src2, edge_dst2, num_dst1, num_dst2,
              W_self1, W_neigh1, b1, W_self2, W_neigh2, b2):
    N1_STATIC = 2000
    N2_STATIC = 500
    # layer 1
    h_dst = jax.lax.dynamic_slice_in_dim(x, num_dst1 - N1_STATIC, N1_STATIC, axis=0)
    size_b = jnp.linalg.norm(h_dst, ord=2, axis=1)
    h = _sage_mean_layer(edge_src1, edge_dst1, N1_STATIC, x, h_dst, W_self1, W_neigh1, b1)
    h = h / jnp.linalg.norm(h, ord=2, axis=1).reshape(-1, 1)
    h = h * size_b.mean()
    h = jax.nn.leaky_relu(h, negative_slope=0.01)
    # layer 2
    h_dst2 = jax.lax.dynamic_slice_in_dim(h, num_dst2 - N2_STATIC, N2_STATIC, axis=0)
    size_b2 = jnp.linalg.norm(h_dst2, ord=2, axis=1)
    h = _sage_mean_layer(edge_src2, edge_dst2, N2_STATIC, h, h_dst2, W_self2, W_neigh2, b2)
    h = h / jnp.linalg.norm(h, ord=2, axis=1).reshape(-1, 1)
    h = h * size_b2.mean()
    h = jax.nn.leaky_relu(h, negative_slope=0.01)
    return h

if __name__ == "__main__":
    import jax
    _d = setup_inputs()
    print(jax.jit(kernel)(*tuple(_d.values())))

</pallas_src>

<mosaic_0001>
#map = affine_map<(d0, d1) -> (0, 0, 0)>
#map1 = affine_map<(d0, d1) -> (0, 0)>
module attributes {stable_mosaic.version = 14 : i64} {
  func.func @kfn(%arg0: i32, %arg1: i32, %arg2: memref<32x250x40xi32, #tpu.memory_space<hbm>>, %arg3: memref<32x250x40xi32, #tpu.memory_space<hbm>>, %arg4: memref<10000x128xf32, #tpu.memory_space<hbm>>, %arg5: memref<2048x128xf32, #tpu.memory_space<hbm>>, %arg6: memref<2048x128xf32, #tpu.memory_space<hbm>>, %arg7: memref<40x128xf32, #tpu.memory_space<hbm>>, %arg8: memref<4096x128xf32, #tpu.memory_space<hbm>>, %arg9: memref<4096x128xf32, #tpu.memory_space<hbm>>, %arg10: memref<250x40xi32, #tpu.memory_space<vmem>>, %arg11: memref<250x40xi32, #tpu.memory_space<vmem>>, %arg12: memref<40x128xf32, #tpu.memory_space<vmem>>, %arg13: memref<40x128xf32, #tpu.memory_space<vmem>>, %arg14: memref<40x128xf32, #tpu.memory_space<vmem>>, %arg15: memref<2048x128xf32, #tpu.memory_space<vmem_shared>>, %arg16: memref<2048x128xf32, #tpu.memory_space<vmem_shared>>, %arg17: memref<!tpu.dma_semaphore, #tpu.memory_space<semaphore_mem>>, %arg18: memref<!tpu.dma_semaphore, #tpu.memory_space<semaphore_mem>>, %arg19: memref<!tpu.dma_semaphore, #tpu.memory_space<semaphore_mem>>, %arg20: memref<!tpu.dma_semaphore, #tpu.memory_space<semaphore_mem>>, %arg21: memref<!tpu.dma_semaphore, #tpu.memory_space<semaphore_mem>>, %arg22: memref<!tpu.dma_semaphore, #tpu.memory_space<semaphore_mem>>) attributes {dimension_semantics = [#tpu.dimension_semantics<core_parallel>, #tpu.dimension_semantics<subcore_parallel>], iteration_bounds = array<i64: 2, 16>, scalar_prefetch = 0 : i64, scratch_operands = 13 : i64, tpu.core_type = #tpu.core_type<sc_vector_subcore>, window_params = [{transform_indices = #map}, {transform_indices = #map}, {transform_indices = #map1}, {transform_indices = #map1}, {transform_indices = #map1}, {transform_indices = #map1}, {transform_indices = #map1}, {transform_indices = #map1}]} {
    %mul3A = arith.constant 2 : i32
    %mul3A_0 = arith.muli %arg1, %mul3A : i32
    %add3A = arith.addi %mul3A_0, %arg0 : i32
    "tpu.region"() ({
      %run_scoped3A = tpu.sem_alloc : memref<!tpu.dma_semaphore, #tpu.memory_space<semaphore_mem>>
      %dma_start3A_50 = arith.constant 0 : i32
      %dma_start3A_51 = arith.constant 0 : i32
      %dma_start3A_52 = tpu.memref_slice %arg2[%add3A, %dma_start3A_50, %dma_start3A_51] : memref<32x250x40xi32, #tpu.memory_space<hbm>> -> memref<1x250x40xi32, #tpu.memory_space<hbm>>
      %dma_start3A_53 = tpu.memref_squeeze %dma_start3A_52 : memref<1x250x40xi32, #tpu.memory_space<hbm>> -> memref<250x40xi32, #tpu.memory_space<hbm>>
      %dma_start3A_54 = arith.constant 0 : i32
      %dma_start3A_55 = arith.constant 0 : i32
      %dma_start3A_56 = tpu.memref_slice %arg2[%add3A, %dma_start3A_54, %dma_start3A_55] : memref<32x250x40xi32, #tpu.memory_space<hbm>> -> memref<1x250x40xi32, #tpu.memory_space<hbm>>
      %dma_start3A_57 = tpu.memref_squeeze %dma_start3A_56 : memref<1x250x40xi32, #tpu.memory_space<hbm>> -> memref<250x40xi32, #tpu.memory_space<hbm>>
      tpu.enqueue_dma source(%dma_start3A_57 : memref<250x40xi32, #tpu.memory_space<hbm>>) target(%arg10 : memref<250x40xi32, #tpu.memory_space<vmem>>) target_semaphore(%run_scoped3A : memref<!tpu.dma_semaphore, #tpu.memory_space<semaphore_mem>>)
      %dma_wait3A_58 = arith.constant 0 : i32
      %dma_wait3A_59 = arith.constant 0 : i32
      %dma_wait3A_60 = tpu.memref_slice %arg2[%add3A, %dma_wait3A_58, %dma_wait3A_59] : memref<32x250x40xi32, #tpu.memory_space<hbm>> -> memref<1x250x40xi32, #tpu.memory_space<hbm>>
      %dma_wait3A_61 = tpu.memref_squeeze %dma_wait3A_60 : memref<1x250x40xi32, #tpu.memory_space<hbm>> -> memref<250x40xi32, #tpu.memory_space<hbm>>
      %dma_wait3A_62 = arith.constant 0 : i32
      %dma_wait3A_63 = arith.constant 0 : i32
      %dma_wait3A_64 = tpu.memref_slice %arg2[%add3A, %dma_wait3A_62, %dma_wait3A_63] : memref<32x250x40xi32, #tpu.memory_space<hbm>> -> memref<1x250x40xi32, #tpu.memory_space<hbm>>
      %dma_wait3A_65 = tpu.memref_squeeze %dma_wait3A_64 : memref<1x250x40xi32, #tpu.memory_space<hbm>> -> memref<250x40xi32, #tpu.memory_space<hbm>>
      tpu.wait_dma2 semaphore(%run_scoped3A : memref<!tpu.dma_semaphore, #tpu.memory_space<semaphore_mem>>) src(%dma_wait3A_65 : memref<250x40xi32, #tpu.memory_space<hbm>>) dst(%arg10 : memref<250x40xi32, #tpu.memory_space<vmem>>)
      tpu.yield
    }) : () -> ()
    "tpu.region"() ({
      %run_scoped3A = tpu.sem_alloc : memref<!tpu.dma_semaphore, #tpu.memory_space<semaphore_mem>>
      %dma_start3A_50 = arith.constant 0 : i32
      %dma_start3A_51 = arith.constant 0 : i32
      %dma_start3A_52 = tpu.memref_slice %arg3[%add3A, %dma_start3A_50, %dma_start3A_51] : memref<32x250x40xi32, #tpu.memory_space<hbm>> -> memref<1x250x40xi32, #tpu.memory_space<hbm>>
      %dma_start3A_53 = tpu.memref_squeeze %dma_start3A_52 : memref<1x250x40xi32, #tpu.memory_space<hbm>> -> memref<250x40xi32, #tpu.memory_space<hbm>>
      %dma_start3A_54 = arith.constant 0 : i32
      %dma_start3A_55 = arith.constant 0 : i32
      %dma_start3A_56 = tpu.memref_slice %arg3[%add3A, %dma_start3A_54, %dma_start3A_55] : memref<32x250x40xi32, #tpu.memory_space<hbm>> -> memref<1x250x40xi32, #tpu.memory_space<hbm>>
      %dma_start3A_57 = tpu.memref_squeeze %dma_start3A_56 : memref<1x250x40xi32, #tpu.memory_space<hbm>> -> memref<250x40xi32, #tpu.memory_space<hbm>>
      tpu.enqueue_dma source(%dma_start3A_57 : memref<250x40xi32, #tpu.memory_space<hbm>>) target(%arg11 : memref<250x40xi32, #tpu.memory_space<vmem>>) target_semaphore(%run_scoped3A : memref<!tpu.dma_semaphore, #tpu.memory_space<semaphore_mem>>)
      %dma_wait3A_58 = arith.constant 0 : i32
      %dma_wait3A_59 = arith.constant 0 : i32
      %dma_wait3A_60 = tpu.memref_slice %arg3[%add3A, %dma_wait3A_58, %dma_wait3A_59] : memref<32x250x40xi32, #tpu.memory_space<hbm>> -> memref<1x250x40xi32, #tpu.memory_space<hbm>>
      %dma_wait3A_61 = tpu.memref_squeeze %dma_wait3A_60 : memref<1x250x40xi32, #tpu.memory_space<hbm>> -> memref<250x40xi32, #tpu.memory_space<hbm>>
      %dma_wait3A_62 = arith.constant 0 : i32
      %dma_wait3A_63 = arith.constant 0 : i32
      %dma_wait3A_64 = tpu.memref_slice %arg3[%add3A, %dma_wait3A_62, %dma_wait3A_63] : memref<32x250x40xi32, #tpu.memory_space<hbm>> -> memref<1x250x40xi32, #tpu.memory_space<hbm>>
      %dma_wait3A_65 = tpu.memref_squeeze %dma_wait3A_64 : memref<1x250x40xi32, #tpu.memory_space<hbm>> -> memref<250x40xi32, #tpu.memory_space<hbm>>
      tpu.wait_dma2 semaphore(%run_scoped3A : memref<!tpu.dma_semaphore, #tpu.memory_space<semaphore_mem>>) src(%dma_wait3A_65 : memref<250x40xi32, #tpu.memory_space<hbm>>) dst(%arg11 : memref<250x40xi32, #tpu.memory_space<vmem>>)
      tpu.yield
    }) : () -> ()
    "tpu.region"() ({
      %run_scoped3A = tpu.sem_alloc : memref<!tpu.dma_semaphore, #tpu.memory_space<semaphore_mem>>
      tpu.enqueue_dma source(%arg7 : memref<40x128xf32, #tpu.memory_space<hbm>>) target(%arg14 : memref<40x128xf32, #tpu.memory_space<vmem>>) target_semaphore(%run_scoped3A : memref<!tpu.dma_semaphore, #tpu.memory_space<semaphore_mem>>)
      tpu.wait_dma2 semaphore(%run_scoped3A : memref<!tpu.dma_semaphore, #tpu.memory_space<semaphore_mem>>) src(%arg7 : memref<40x128xf32, #tpu.memory_space<hbm>>) dst(%arg14 : memref<40x128xf32, #tpu.memory_space<vmem>>)
      tpu.yield
    }) : () -> ()
    %mul3A_1 = arith.constant 128 : i32
    %mul3A_2 = arith.muli %arg1, %mul3A_1 : i32
    %mul3A_3 = arith.constant 128 : i32
    %mul3A_4 = arith.muli %arg1, %mul3A_3 : i32
    "tpu.region"() ({
      %run_scoped3A = tpu.sem_alloc : memref<!tpu.dma_semaphore, #tpu.memory_space<semaphore_mem>>
      %dma_start3A_50 = arith.constant 0 : i32
      %dma_start3A_51 = tpu.memref_slice %arg15[%mul3A_4, %dma_start3A_50] : memref<2048x128xf32, #tpu.memory_space<vmem_shared>> -> memref<128x128xf32, #tpu.memory_space<vmem_shared>>
      %dma_start3A_52 = arith.constant 0 : i32
      %dma_start3A_53 = tpu.memref_slice %arg5[%mul3A_2, %dma_start3A_52] : memref<2048x128xf32, #tpu.memory_space<hbm>> -> memref<128x128xf32, #tpu.memory_space<hbm>>
      tpu.enqueue_dma source(%dma_start3A_53 : memref<128x128xf32, #tpu.memory_space<hbm>>) target(%dma_start3A_51 : memref<128x128xf32, #tpu.memory_space<vmem_shared>>) target_semaphore(%run_scoped3A : memref<!tpu.dma_semaphore, #tpu.memory_space<semaphore_mem>>)
      %dma_wait3A_54 = arith.constant 0 : i32
      %dma_wait3A_55 = tpu.memref_slice %arg15[%mul3A_4, %dma_wait3A_54] : memref<2048x128xf32, #tpu.memory_space<vmem_shared>> -> memref<128x128xf32, #tpu.memory_space<vmem_shared>>
      %dma_wait3A_56 = arith.constant 0 : i32
      %dma_wait3A_57 = tpu.memref_slice %arg5[%mul3A_2, %dma_wait3A_56] : memref<2048x128xf32, #tpu.memory_space<hbm>> -> memref<128x128xf32, #tpu.memory_space<hbm>>
      tpu.wait_dma2 semaphore(%run_scoped3A : memref<!tpu.dma_semaphore, #tpu.memory_space<semaphore_mem>>) src(%dma_wait3A_57 : memref<128x128xf32, #tpu.memory_space<hbm>>) dst(%dma_wait3A_55 : memref<128x128xf32, #tpu.memory_space<vmem_shared>>)
      tpu.yield
    }) : () -> ()
    %mul3A_5 = arith.constant 128 : i32
    %mul3A_6 = arith.muli %arg1, %mul3A_5 : i32
    %mul3A_7 = arith.constant 128 : i32
    %mul3A_8 = arith.muli %arg1, %mul3A_7 : i32
    "tpu.region"() ({
      %run_scoped3A = tpu.sem_alloc : memref<!tpu.dma_semaphore, #tpu.memory_space<semaphore_mem>>
      %dma_start3A_50 = arith.constant 0 : i32
      %dma_start3A_51 = tpu.memref_slice %arg16[%mul3A_8, %dma_start3A_50] : memref<2048x128xf32, #tpu.memory_space<vmem_shared>> -> memref<128x128xf32, #tpu.memory_space<vmem_shared>>
      %dma_start3A_52 = arith.constant 0 : i32
      %dma_start3A_53 = tpu.memref_slice %arg6[%mul3A_6, %dma_start3A_52] : memref<2048x128xf32, #tpu.memory_space<hbm>> -> memref<128x128xf32, #tpu.memory_space<hbm>>
      tpu.enqueue_dma source(%dma_start3A_53 : memref<128x128xf32, #tpu.memory_space<hbm>>) target(%dma_start3A_51 : memref<128x128xf32, #tpu.memory_space<vmem_shared>>) target_semaphore(%run_scoped3A : memref<!tpu.dma_semaphore, #tpu.memory_space<semaphore_mem>>)
      %dma_wait3A_54 = arith.constant 0 : i32
      %dma_wait3A_55 = tpu.memref_slice %arg16[%mul3A_8, %dma_wait3A_54] : memref<2048x128xf32, #tpu.memory_space<vmem_shared>> -> memref<128x128xf32, #tpu.memory_space<vmem_shared>>
      %dma_wait3A_56 = arith.constant 0 : i32
      %dma_wait3A_57 = tpu.memref_slice %arg6[%mul3A_6, %dma_wait3A_56] : memref<2048x128xf32, #tpu.memory_space<hbm>> -> memref<128x128xf32, #tpu.memory_space<hbm>>
      tpu.wait_dma2 semaphore(%run_scoped3A : memref<!tpu.dma_semaphore, #tpu.memory_space<semaphore_mem>>) src(%dma_wait3A_57 : memref<128x128xf32, #tpu.memory_space<hbm>>) dst(%dma_wait3A_55 : memref<128x128xf32, #tpu.memory_space<vmem_shared>>)
      tpu.yield
    }) : () -> ()
    %barrier3A = arith.constant 0 : index
    tpu.barrier barrier_id(%barrier3A)
    %dma_start3A = arith.constant 0 : i32
    %dma_start3A_9 = arith.constant 0 : i32
    %dma_start3A_10 = tpu.memref_slice %arg10[%dma_start3A, %dma_start3A_9] : memref<250x40xi32, #tpu.memory_space<vmem>> -> memref<1x40xi32, #tpu.memory_space<vmem>>
    %dma_start3A_11 = tpu.memref_squeeze %dma_start3A_10 : memref<1x40xi32, #tpu.memory_space<vmem>> -> memref<40xi32, #tpu.memory_space<vmem>>
    %dma_start3A_12 = arith.constant 0 : i32
    %dma_start3A_13 = arith.constant 0 : i32
    %dma_start3A_14 = tpu.memref_slice %arg4[%dma_start3A_12, %dma_start3A_13] : memref<10000x128xf32, #tpu.memory_space<hbm>> -> memref<10000x128xf32, #tpu.memory_space<hbm>>
    tpu.enqueue_indirect_dma source(%dma_start3A_14 : memref<10000x128xf32, #tpu.memory_space<hbm>>) target(%arg12 : memref<40x128xf32, #tpu.memory_space<vmem>>) offsets(%dma_start3A_11 : memref<40xi32, #tpu.memory_space<vmem>>) semaphore(%arg17 : memref<!tpu.dma_semaphore, #tpu.memory_space<semaphore_mem>>)
    %scan3A = arith.constant 0 : i32
    %scan3A_15 = arith.constant 0 : i32
    %scan3A_16 = arith.constant 125 : i32
    %scan3A_17 = arith.addi %scan3A_15, %scan3A_16 : i32
    %scan3A_18 = arith.constant 1 : i32
    scf.for %scan3A_50 = %scan3A_15 to %scan3A_17 step %scan3A_18  : i32 {
      %mul3A_51 = arith.constant 2 : i32
      %mul3A_52 = arith.muli %mul3A_51, %scan3A_50 : i32
      %add3A_53 = arith.constant 0 : i32
      %add3A_54 = arith.addi %mul3A_52, %add3A_53 : i32
      %dma_wait3A_55 = arith.constant 0 : i32
      %dma_wait3A_56 = tpu.memref_slice %arg10[%add3A_54, %dma_wait3A_55] : memref<250x40xi32, #tpu.memory_space<vmem>> -> memref<1x40xi32, #tpu.memory_space<vmem>>
      %dma_wait3A_57 = tpu.memref_squeeze %dma_wait3A_56 : memref<1x40xi32, #tpu.memory_space<vmem>> -> memref<40xi32, #tpu.memory_space<vmem>>
      %dma_wait3A_58 = arith.constant 0 : i32
      %dma_wait3A_59 = arith.constant 0 : i32
      %dma_wait3A_60 = tpu.memref_slice %arg4[%dma_wait3A_58, %dma_wait3A_59] : memref<10000x128xf32, #tpu.memory_space<hbm>> -> memref<10000x128xf32, #tpu.memory_space<hbm>>
      tpu.wait_indirect_dma semaphore(%arg17 : memref<!tpu.dma_semaphore, #tpu.memory_space<semaphore_mem>>) src(%dma_wait3A_60 : memref<10000x128xf32, #tpu.memory_space<hbm>>) dst(%arg12 : memref<40x128xf32, #tpu.memory_space<vmem>>)
      %ge3A = arith.constant 1 : i32
      %ge3A_61 = arith.cmpi sge, %add3A_54, %ge3A : i32
      %convert_element_type3A = arith.extui %ge3A_61 : i1 to i32
      %cond3A = arith.constant 0 : i32
      %cond3A_62 = arith.cmpi ne, %convert_element_type3A, %cond3A : i32
      scf.if %cond3A_62 {
        %dma_wait3A_125 = arith.constant 0 : i32
        %dma_wait3A_126 = tpu.memref_slice %arg11[%add3A_54, %dma_wait3A_125] : memref<250x40xi32, #tpu.memory_space<vmem>> -> memref<1x40xi32, #tpu.memory_space<vmem>>
        %dma_wait3A_127 = tpu.memref_squeeze %dma_wait3A_126 : memref<1x40xi32, #tpu.memory_space<vmem>> -> memref<40xi32, #tpu.memory_space<vmem>>
        %dma_wait3A_128 = arith.constant 0 : i32
        %dma_wait3A_129 = arith.constant 0 : i32
        %dma_wait3A_130 = tpu.memref_slice %arg15[%dma_wait3A_128, %dma_wait3A_129] : memref<2048x128xf32, #tpu.memory_space<vmem_shared>> -> memref<2048x128xf32, #tpu.memory_space<vmem_shared>>
        tpu.wait_indirect_dma semaphore(%arg20 : memref<!tpu.dma_semaphore, #tpu.memory_space<semaphore_mem>>) src(%arg13 : memref<40x128xf32, #tpu.memory_space<vmem>>) dst(%dma_wait3A_130 : memref<2048x128xf32, #tpu.memory_space<vmem_shared>>)
      } else {
      }
      %add3A_63 = arith.constant 1 : i32
      %add3A_64 = arith.addi %add3A_54, %add3A_63 : i32
      %lt3A = arith.constant 250 : i32
      %lt3A_65 = arith.cmpi slt, %add3A_64, %lt3A : i32
      %convert_element_type3A_66 = arith.extui %lt3A_65 : i1 to i32
      %cond3A_67 = arith.constant 0 : i32
      %cond3A_68 = arith.cmpi ne, %convert_element_type3A_66, %cond3A_67 : i32
      scf.if %cond3A_68 {
        %add3A_125 = arith.constant 1 : i32
        %add3A_126 = arith.addi %add3A_54, %add3A_125 : i32
        %dma_start3A_127 = arith.constant 0 : i32
        %dma_start3A_128 = tpu.memref_slice %arg10[%add3A_126, %dma_start3A_127] : memref<250x40xi32, #tpu.memory_space<vmem>> -> memref<1x40xi32, #tpu.memory_space<vmem>>
        %dma_start3A_129 = tpu.memref_squeeze %dma_start3A_128 : memref<1x40xi32, #tpu.memory_space<vmem>> -> memref<40xi32, #tpu.memory_space<vmem>>
        %dma_start3A_130 = arith.constant 0 : i32
        %dma_start3A_131 = arith.constant 0 : i32
        %dma_start3A_132 = tpu.memref_slice %arg4[%dma_start3A_130, %dma_start3A_131] : memref<10000x128xf32, #tpu.memory_space<hbm>> -> memref<10000x128xf32, #tpu.memory_space<hbm>>
        tpu.enqueue_indirect_dma source(%dma_start3A_132 : memref<10000x128xf32, #tpu.memory_space<hbm>>) target(%arg13 : memref<40x128xf32, #tpu.memory_space<vmem>>) offsets(%dma_start3A_129 : memref<40xi32, #tpu.memory_space<vmem>>) semaphore(%arg18 : memref<!tpu.dma_semaphore, #tpu.memory_space<semaphore_mem>>)
      } else {
      }
      %dma_start3A_69 = arith.constant 0 : i32
      %dma_start3A_70 = tpu.memref_slice %arg11[%add3A_54, %dma_start3A_69] : memref<250x40xi32, #tpu.memory_space<vmem>> -> memref<1x40xi32, #tpu.memory_space<vmem>>
      %dma_start3A_71 = tpu.memref_squeeze %dma_start3A_70 : memref<1x40xi32, #tpu.memory_space<vmem>> -> memref<40xi32, #tpu.memory_space<vmem>>
      %dma_start3A_72 = arith.constant 0 : i32
      %dma_start3A_73 = arith.constant 0 : i32
      %dma_start3A_74 = tpu.memref_slice %arg15[%dma_start3A_72, %dma_start3A_73] : memref<2048x128xf32, #tpu.memory_space<vmem_shared>> -> memref<2048x128xf32, #tpu.memory_space<vmem_shared>>
      tpu.enqueue_indirect_dma source(%arg12 : memref<40x128xf32, #tpu.memory_space<vmem>>) target(%dma_start3A_74 : memref<2048x128xf32, #tpu.memory_space<vmem_shared>>) offsets(%dma_start3A_71 : memref<40xi32, #tpu.memory_space<vmem>>) semaphore(%arg19 : memref<!tpu.dma_semaphore, #tpu.memory_space<semaphore_mem>>) {add = true}
      %ge3A_75 = arith.constant 2 : i32
      %ge3A_76 = arith.cmpi sge, %add3A_54, %ge3A_75 : i32
      %convert_element_type3A_77 = arith.extui %ge3A_76 : i1 to i32
      %cond3A_78 = arith.constant 0 : i32
      %cond3A_79 = arith.cmpi ne, %convert_element_type3A_77, %cond3A_78 : i32
      scf.if %cond3A_79 {
        %dma_wait3A_125 = arith.constant 0 : i32
        %dma_wait3A_126 = tpu.memref_slice %arg11[%add3A_54, %dma_wait3A_125] : memref<250x40xi32, #tpu.memory_space<vmem>> -> memref<1x40xi32, #tpu.memory_space<vmem>>
        %dma_wait3A_127 = tpu.memref_squeeze %dma_wait3A_126 : memref<1x40xi32, #tpu.memory_space<vmem>> -> memref<40xi32, #tpu.memory_space<vmem>>
        %dma_wait3A_128 = arith.constant 0 : i32
        %dma_wait3A_129 = arith.constant 0 : i32
        %dma_wait3A_130 = tpu.memref_slice %arg16[%dma_wait3A_128, %dma_wait3A_129] : memref<2048x128xf32, #tpu.memory_space<vmem_shared>> -> memref<2048x128xf32, #tpu.memory_space<vmem_shared>>
        tpu.wait_indirect_dma semaphore(%arg21 : memref<!tpu.dma_semaphore, #tpu.memory_space<semaphore_mem>>) src(%arg14 : memref<40x128xf32, #tpu.memory_space<vmem>>) dst(%dma_wait3A_130 : memref<2048x128xf32, #tpu.memory_space<vmem_shared>>)
      } else {
      }
      %dma_start3A_80 = arith.constant 0 : i32
      %dma_start3A_81 = tpu.memref_slice %arg11[%add3A_54, %dma_start3A_80] : memref<250x40xi32, #tpu.memory_space<vmem>> -> memref<1x40xi32, #tpu.memory_space<vmem>>
      %dma_start3A_82 = tpu.memref_squeeze %dma_start3A_81 : memref<1x40xi32, #tpu.memory_space<vmem>> -> memref<40xi32, #tpu.memory_space<vmem>>
      %dma_start3A_83 = arith.constant 0 : i32
      %dma_start3A_84 = arith.constant 0 : i32
      %dma_start3A_85 = tpu.memref_slice %arg16[%dma_start3A_83, %dma_start3A_84] : memref<2048x128xf32, #tpu.memory_space<vmem_shared>> -> memref<2048x128xf32, #tpu.memory_space<vmem_shared>>
      tpu.enqueue_indirect_dma source(%arg14 : memref<40x128xf32, #tpu.memory_space<vmem>>) target(%dma_start3A_85 : memref<2048x128xf32, #tpu.memory_space<vmem_shared>>) offsets(%dma_start3A_82 : memref<40xi32, #tpu.memory_space<vmem>>) semaphore(%arg21 : memref<!tpu.dma_semaphore, #tpu.memory_space<semaphore_mem>>) {add = true}
      %mul3A_86 = arith.constant 2 : i32
      %mul3A_87 = arith.muli %mul3A_86, %scan3A_50 : i32
      %add3A_88 = arith.constant 1 : i32
      %add3A_89 = arith.addi %mul3A_87, %add3A_88 : i32
      %dma_wait3A_90 = arith.constant 0 : i32
      %dma_wait3A_91 = tpu.memref_slice %arg10[%add3A_89, %dma_wait3A_90] : memref<250x40xi32, #tpu.memory_space<vmem>> -> memref<1x40xi32, #tpu.memory_space<vmem>>
      %dma_wait3A_92 = tpu.memref_squeeze %dma_wait3A_91 : memref<1x40xi32, #tpu.memory_space<vmem>> -> memref<40xi32, #tpu.memory_space<vmem>>
      %dma_wait3A_93 = arith.constant 0 : i32
      %dma_wait3A_94 = arith.constant 0 : i32
      %dma_wait3A_95 = tpu.memref_slice %arg4[%dma_wait3A_93, %dma_wait3A_94] : memref<10000x128xf32, #tpu.memory_space<hbm>> -> memref<10000x128xf32, #tpu.memory_space<hbm>>
      tpu.wait_indirect_dma semaphore(%arg18 : memref<!tpu.dma_semaphore, #tpu.memory_space<semaphore_mem>>) src(%dma_wait3A_95 : memref<10000x128xf32, #tpu.memory_space<hbm>>) dst(%arg13 : memref<40x128xf32, #tpu.memory_space<vmem>>)
      %ge3A_96 = arith.constant 1 : i32
      %ge3A_97 = arith.cmpi sge, %add3A_89, %ge3A_96 : i32
      %convert_element_type3A_98 = arith.extui %ge3A_97 : i1 to i32
      %cond3A_99 = arith.constant 0 : i32
      %cond3A_100 = arith.cmpi ne, %convert_element_type3A_98, %cond3A_99 : i32
      scf.if %cond3A_100 {
        %dma_wait3A_125 = arith.constant 0 : i32
        %dma_wait3A_126 = tpu.memref_slice %arg11[%add3A_89, %dma_wait3A_125] : memref<250x40xi32, #tpu.memory_space<vmem>> -> memref<1x40xi32, #tpu.memory_space<vmem>>
        %dma_wait3A_127 = tpu.memref_squeeze %dma_wait3A_126 : memref<1x40xi32, #tpu.memory_space<vmem>> -> memref<40xi32, #tpu.memory_space<vmem>>
        %dma_wait3A_128 = arith.constant 0 : i32
        %dma_wait3A_129 = arith.constant 0 : i32
        %dma_wait3A_130 = tpu.memref_slice %arg15[%dma_wait3A_128, %dma_wait3A_129] : memref<2048x128xf32, #tpu.memory_space<vmem_shared>> -> memref<2048x128xf32, #tpu.memory_space<vmem_shared>>
        tpu.wait_indirect_dma semaphore(%arg19 : memref<!tpu.dma_semaphore, #tpu.memory_space<semaphore_mem>>) src(%arg12 : memref<40x128xf32, #tpu.memory_space<vmem>>) dst(%dma_wait3A_130 : memref<2048x128xf32, #tpu.memory_space<vmem_shared>>)
      } else {
      }
      %add3A_101 = arith.constant 1 : i32
      %add3A_102 = arith.addi %add3A_89, %add3A_101 : i32
      %lt3A_103 = arith.constant 250 : i32
      %lt3A_104 = arith.cmpi slt, %add3A_102, %lt3A_103 : i32
      %convert_element_type3A_105 = arith.extui %lt3A_104 : i1 to i32
      %cond3A_106 = arith.constant 0 : i32
      %cond3A_107 = arith.cmpi ne, %convert_element_type3A_105, %cond3A_106 : i32
      scf.if %cond3A_107 {
        %add3A_125 = arith.constant 1 : i32
        %add3A_126 = arith.addi %add3A_89, %add3A_125 : i32
        %dma_start3A_127 = arith.constant 0 : i32
        %dma_start3A_128 = tpu.memref_slice %arg10[%add3A_126, %dma_start3A_127] : memref<250x40xi32, #tpu.memory_space<vmem>> -> memref<1x40xi32, #tpu.memory_space<vmem>>
        %dma_start3A_129 = tpu.memref_squeeze %dma_start3A_128 : memref<1x40xi32, #tpu.memory_space<vmem>> -> memref<40xi32, #tpu.memory_space<vmem>>
        %dma_start3A_130 = arith.constant 0 : i32
        %dma_start3A_131 = arith.constant 0 : i32
        %dma_start3A_132 = tpu.memref_slice %arg4[%dma_start3A_130, %dma_start3A_131] : memref<10000x128xf32, #tpu.memory_space<hbm>> -> memref<10000x128xf32, #tpu.memory_space<hbm>>
        tpu.enqueue_indirect_dma source(%dma_start3A_132 : memref<10000x128xf32, #tpu.memory_space<hbm>>) target(%arg12 : memref<40x128xf32, #tpu.memory_space<vmem>>) offsets(%dma_start3A_129 : memref<40xi32, #tpu.memory_space<vmem>>) semaphore(%arg17 : memref<!tpu.dma_semaphore, #tpu.memory_space<semaphore_mem>>)
      } else {
      }
      %dma_start3A_108 = arith.constant 0 : i32
      %dma_start3A_109 = tpu.memref_slice %arg11[%add3A_89, %dma_start3A_108] : memref<250x40xi32, #tpu.memory_space<vmem>> -> memref<1x40xi32, #tpu.memory_space<vmem>>
      %dma_start3A_110 = tpu.memref_squeeze %dma_start3A_109 : memref<1x40xi32, #tpu.memory_space<vmem>> -> memref<40xi32, #tpu.memory_space<vmem>>
      %dma_start3A_111 = arith.constant 0 : i32
      %dma_start3A_112 = arith.constant 0 : i32
      %dma_start3A_113 = tpu.memref_slice %arg15[%dma_start3A_111, %dma_start3A_112] : memref<2048x128xf32, #tpu.memory_space<vmem_shared>> -> memref<2048x128xf32, #tpu.memory_space<vmem_shared>>
      tpu.enqueue_indirect_dma source(%arg13 : memref<40x128xf32, #tpu.memory_space<vmem>>) target(%dma_start3A_113 : memref<2048x128xf32, #tpu.memory_space<vmem_shared>>) offsets(%dma_start3A_110 : memref<40xi32, #tpu.memory_space<vmem>>) semaphore(%arg20 : memref<!tpu.dma_semaphore, #tpu.memory_space<semaphore_mem>>) {add = true}
      %ge3A_114 = arith.constant 2 : i32
      %ge3A_115 = arith.cmpi sge, %add3A_89, %ge3A_114 : i32
      %convert_element_type3A_116 = arith.extui %ge3A_115 : i1 to i32
      %cond3A_117 = arith.constant 0 : i32
      %cond3A_118 = arith.cmpi ne, %convert_element_type3A_116, %cond3A_117 : i32
      scf.if %cond3A_118 {
        %dma_wait3A_125 = arith.constant 0 : i32
        %dma_wait3A_126 = tpu.memref_slice %arg11[%add3A_89, %dma_wait3A_125] : memref<250x40xi32, #tpu.memory_space<vmem>> -> memref<1x40xi32, #tpu.memory_space<vmem>>
        %dma_wait3A_127 = tpu.memref_squeeze %dma_wait3A_126 : memref<1x40xi32, #tpu.memory_space<vmem>> -> memref<40xi32, #tpu.memory_space<vmem>>
        %dma_wait3A_128 = arith.constant 0 : i32
        %dma_wait3A_129 = arith.constant 0 : i32
        %dma_wait3A_130 = tpu.memref_slice %arg16[%dma_wait3A_128, %dma_wait3A_129] : memref<2048x128xf32, #tpu.memory_space<vmem_shared>> -> memref<2048x128xf32, #tpu.memory_space<vmem_shared>>
        tpu.wait_indirect_dma semaphore(%arg22 : memref<!tpu.dma_semaphore, #tpu.memory_space<semaphore_mem>>) src(%arg14 : memref<40x128xf32, #tpu.memory_space<vmem>>) dst(%dma_wait3A_130 : memref<2048x128xf32, #tpu.memory_space<vmem_shared>>)
      } else {
      }
      %dma_start3A_119 = arith.constant 0 : i32
      %dma_start3A_120 = tpu.memref_slice %arg11[%add3A_89, %dma_start3A_119] : memref<250x40xi32, #tpu.memory_space<vmem>> -> memref<1x40xi32, #tpu.memory_space<vmem>>
      %dma_start3A_121 = tpu.memref_squeeze %dma_start3A_120 : memref<1x40xi32, #tpu.memory_space<vmem>> -> memref<40xi32, #tpu.memory_space<vmem>>
      %dma_start3A_122 = arith.constant 0 : i32
      %dma_start3A_123 = arith.constant 0 : i32
      %dma_start3A_124 = tpu.memref_slice %arg16[%dma_start3A_122, %dma_start3A_123] : memref<2048x128xf32, #tpu.memory_space<vmem_shared>> -> memref<2048x128xf32, #tpu.memory_space<vmem_shared>>
      tpu.enqueue_indirect_dma source(%arg14 : memref<40x128xf32, #tpu.memory_space<vmem>>) target(%dma_start3A_124 : memref<2048x128xf32, #tpu.memory_space<vmem_shared>>) offsets(%dma_start3A_121 : memref<40xi32, #tpu.memory_space<vmem>>) semaphore(%arg22 : memref<!tpu.dma_semaphore, #tpu.memory_space<semaphore_mem>>) {add = true}
    }
    %scan3A_19 = arith.constant 125 : i32
    %dma_wait3A = arith.constant 0 : i32
    %dma_wait3A_20 = arith.constant 0 : i32
    %dma_wait3A_21 = tpu.memref_slice %arg11[%dma_wait3A, %dma_wait3A_20] : memref<250x40xi32, #tpu.memory_space<vmem>> -> memref<1x40xi32, #tpu.memory_space<vmem>>
    %dma_wait3A_22 = tpu.memref_squeeze %dma_wait3A_21 : memref<1x40xi32, #tpu.memory_space<vmem>> -> memref<40xi32, #tpu.memory_space<vmem>>
    %dma_wait3A_23 = arith.constant 0 : i32
    %dma_wait3A_24 = arith.constant 0 : i32
    %dma_wait3A_25 = tpu.memref_slice %arg15[%dma_wait3A_23, %dma_wait3A_24] : memref<2048x128xf32, #tpu.memory_space<vmem_shared>> -> memref<2048x128xf32, #tpu.memory_space<vmem_shared>>
    tpu.wait_indirect_dma semaphore(%arg20 : memref<!tpu.dma_semaphore, #tpu.memory_space<semaphore_mem>>) src(%arg13 : memref<40x128xf32, #tpu.memory_space<vmem>>) dst(%dma_wait3A_25 : memref<2048x128xf32, #tpu.memory_space<vmem_shared>>)
    %dma_wait3A_26 = arith.constant 0 : i32
    %dma_wait3A_27 = arith.constant 0 : i32
    %dma_wait3A_28 = tpu.memref_slice %arg11[%dma_wait3A_26, %dma_wait3A_27] : memref<250x40xi32, #tpu.memory_space<vmem>> -> memref<1x40xi32, #tpu.memory_space<vmem>>
    %dma_wait3A_29 = tpu.memref_squeeze %dma_wait3A_28 : memref<1x40xi32, #tpu.memory_space<vmem>> -> memref<40xi32, #tpu.memory_space<vmem>>
    %dma_wait3A_30 = arith.constant 0 : i32
    %dma_wait3A_31 = arith.constant 0 : i32
    %dma_wait3A_32 = tpu.memref_slice %arg16[%dma_wait3A_30, %dma_wait3A_31] : memref<2048x128xf32, #tpu.memory_space<vmem_shared>> -> memref<2048x128xf32, #tpu.memory_space<vmem_shared>>
    tpu.wait_indirect_dma semaphore(%arg21 : memref<!tpu.dma_semaphore, #tpu.memory_space<semaphore_mem>>) src(%arg14 : memref<40x128xf32, #tpu.memory_space<vmem>>) dst(%dma_wait3A_32 : memref<2048x128xf32, #tpu.memory_space<vmem_shared>>)
    %dma_wait3A_33 = arith.constant 0 : i32
    %dma_wait3A_34 = arith.constant 0 : i32
    %dma_wait3A_35 = tpu.memref_slice %arg11[%dma_wait3A_33, %dma_wait3A_34] : memref<250x40xi32, #tpu.memory_space<vmem>> -> memref<1x40xi32, #tpu.memory_space<vmem>>
    %dma_wait3A_36 = tpu.memref_squeeze %dma_wait3A_35 : memref<1x40xi32, #tpu.memory_space<vmem>> -> memref<40xi32, #tpu.memory_space<vmem>>
    %dma_wait3A_37 = arith.constant 0 : i32
    %dma_wait3A_38 = arith.constant 0 : i32
    %dma_wait3A_39 = tpu.memref_slice %arg16[%dma_wait3A_37, %dma_wait3A_38] : memref<2048x128xf32, #tpu.memory_space<vmem_shared>> -> memref<2048x128xf32, #tpu.memory_space<vmem_shared>>
    tpu.wait_indirect_dma semaphore(%arg22 : memref<!tpu.dma_semaphore, #tpu.memory_space<semaphore_mem>>) src(%arg14 : memref<40x128xf32, #tpu.memory_space<vmem>>) dst(%dma_wait3A_39 : memref<2048x128xf32, #tpu.memory_space<vmem_shared>>)
    %barrier3A_40 = arith.constant 0 : index
    tpu.barrier barrier_id(%barrier3A_40)
    %mul3A_41 = arith.constant 2048 : i32
    %mul3A_42 = arith.muli %arg0, %mul3A_41 : i32
    %mul3A_43 = arith.constant 128 : i32
    %mul3A_44 = arith.muli %arg1, %mul3A_43 : i32
    %add3A_45 = arith.addi %mul3A_42, %mul3A_44 : i32
    %mul3A_46 = arith.constant 128 : i32
    %mul3A_47 = arith.muli %arg1, %mul3A_46 : i32
    "tpu.region"() ({
      %run_scoped3A = tpu.sem_alloc : memref<!tpu.dma_semaphore, #tpu.memory_space<semaphore_mem>>
      %dma_start3A_50 = arith.constant 0 : i32
      %dma_start3A_51 = tpu.memref_slice %arg8[%add3A_45, %dma_start3A_50] : memref<4096x128xf32, #tpu.memory_space<hbm>> -> memref<128x128xf32, #tpu.memory_space<hbm>>
      %dma_start3A_52 = arith.constant 0 : i32
      %dma_start3A_53 = tpu.memref_slice %arg15[%mul3A_47, %dma_start3A_52] : memref<2048x128xf32, #tpu.memory_space<vmem_shared>> -> memref<128x128xf32, #tpu.memory_space<vmem_shared>>
      tpu.enqueue_dma source(%dma_start3A_53 : memref<128x128xf32, #tpu.memory_space<vmem_shared>>) target(%dma_start3A_51 : memref<128x128xf32, #tpu.memory_space<hbm>>) target_semaphore(%run_scoped3A : memref<!tpu.dma_semaphore, #tpu.memory_space<semaphore_mem>>)
      %dma_wait3A_54 = arith.constant 0 : i32
      %dma_wait3A_55 = tpu.memref_slice %arg8[%add3A_45, %dma_wait3A_54] : memref<4096x128xf32, #tpu.memory_space<hbm>> -> memref<128x128xf32, #tpu.memory_space<hbm>>
      %dma_wait3A_56 = arith.constant 0 : i32
      %dma_wait3A_57 = tpu.memref_slice %arg15[%mul3A_47, %dma_wait3A_56] : memref<2048x128xf32, #tpu.memory_space<vmem_shared>> -> memref<128x128xf32, #tpu.memory_space<vmem_shared>>
      tpu.wait_dma2 semaphore(%run_scoped3A : memref<!tpu.dma_semaphore, #tpu.memory_space<semaphore_mem>>) src(%dma_wait3A_57 : memref<128x128xf32, #tpu.memory_space<vmem_shared>>) dst(%dma_wait3A_55 : memref<128x128xf32, #tpu.memory_space<hbm>>)
      tpu.yield
    }) : () -> ()
    %mul3A_48 = arith.constant 128 : i32
    %mul3A_49 = arith.muli %arg1, %mul3A_48 : i32
    "tpu.region"() ({
      %run_scoped3A = tpu.sem_alloc : memref<!tpu.dma_semaphore, #tpu.memory_space<semaphore_mem>>
      %dma_start3A_50 = arith.constant 0 : i32
      %dma_start3A_51 = tpu.memref_slice %arg9[%add3A_45, %dma_start3A_50] : memref<4096x128xf32, #tpu.memory_space<hbm>> -> memref<128x128xf32, #tpu.memory_space<hbm>>
      %dma_start3A_52 = arith.constant 0 : i32
      %dma_start3A_53 = tpu.memref_slice %arg16[%mul3A_49, %dma_start3A_52] : memref<2048x128xf32, #tpu.memory_space<vmem_shared>> -> memref<128x128xf32, #tpu.memory_space<vmem_shared>>
      tpu.enqueue_dma source(%dma_start3A_53 : memref<128x128xf32, #tpu.memory_space<vmem_shared>>) target(%dma_start3A_51 : memref<128x128xf32, #tpu.memory_space<hbm>>) target_semaphore(%run_scoped3A : memref<!tpu.dma_semaphore, #tpu.memory_space<semaphore_mem>>)
      %dma_wait3A_54 = arith.constant 0 : i32
      %dma_wait3A_55 = tpu.memref_slice %arg9[%add3A_45, %dma_wait3A_54] : memref<4096x128xf32, #tpu.memory_space<hbm>> -> memref<128x128xf32, #tpu.memory_space<hbm>>
      %dma_wait3A_56 = arith.constant 0 : i32
      %dma_wait3A_57 = tpu.memref_slice %arg16[%mul3A_49, %dma_wait3A_56] : memref<2048x128xf32, #tpu.memory_space<vmem_shared>> -> memref<128x128xf32, #tpu.memory_space<vmem_shared>>
      tpu.wait_dma2 semaphore(%run_scoped3A : memref<!tpu.dma_semaphore, #tpu.memory_space<semaphore_mem>>) src(%dma_wait3A_57 : memref<128x128xf32, #tpu.memory_space<vmem_shared>>) dst(%dma_wait3A_55 : memref<128x128xf32, #tpu.memory_space<hbm>>)
      tpu.yield
    }) : () -> ()
    return
  }
}

#map = affine_map<(d0, d1) -> (0, 0, 0)>
#map1 = affine_map<(d0, d1) -> (0, 0)>
module attributes {stable_mosaic.version = 14 : i64} {
  func.func @kfn(%arg0: i32, %arg1: i32, %arg2: memref<32x24x48xi32, #tpu.memory_space<hbm>>, %arg3: memref<32x24x48xi32, #tpu.memory_space<hbm>>, %arg4: memref<2000x128xf32, #tpu.memory_space<hbm>>, %arg5: memref<2000x128xf32, #tpu.memory_space<hbm>>, %arg6: memref<512x128xf32, #tpu.memory_space<hbm>>, %arg7: memref<512x128xf32, #tpu.memory_space<hbm>>, %arg8: memref<48x128xf32, #tpu.memory_space<hbm>>, %arg9: memref<1024x128xf32, #tpu.memory_space<hbm>>, %arg10: memref<1024x128xf32, #tpu.memory_space<hbm>>, %arg11: memref<1024x128xf32, #tpu.memory_space<hbm>>, %arg12: memref<24x48xi32, #tpu.memory_space<vmem>>, %arg13: memref<24x48xi32, #tpu.memory_space<vmem>>, %arg14: memref<48x128xf32, #tpu.memory_space<vmem>>, %arg15: memref<48x128xf32, #tpu.memory_space<vmem>>, %arg16: memref<48x128xf32, #tpu.memory_space<vmem>>, %arg17: memref<48x128xf32, #tpu.memory_space<vmem>>, %arg18: memref<48x128xf32, #tpu.memory_space<vmem>>, %arg19: memref<512x128xf32, #tpu.memory_space<vmem_shared>>, %arg20: memref<512x128xf32, #tpu.memory_space<vmem_shared>>, %arg21: memref<512x128xf32, #tpu.memory_space<vmem_shared>>, %arg22: memref<!tpu.dma_semaphore, #tpu.memory_space<semaphore_mem>>, %arg23: memref<!tpu.dma_semaphore, #tpu.memory_space<semaphore_mem>>, %arg24: memref<!tpu.dma_semaphore, #tpu.memory_space<semaphore_mem>>, %arg25: memref<!tpu.dma_semaphore, #tpu.memory_space<semaphore_mem>>, %arg26: memref<!tpu.dma_semaphore, #tpu.memory_space<semaphore_mem>>, %arg27: memref<!tpu.dma_semaphore, #tpu.memory_space<semaphore_mem>>, %arg28: memref<!tpu.dma_semaphore, #tpu.memory_space<semaphore_mem>>, %arg29: memref<!tpu.dma_semaphore, #tpu.memory_space<semaphore_mem>>, %arg30: memref<!tpu.dma_semaphore, #tpu.memory_space<semaphore_mem>>, %arg31: memref<!tpu.dma_semaphore, #tpu.memory_space<semaphore_mem>>) attributes {dimension_semantics = [#tpu.dimension_semantics<core_parallel>, #tpu.dimension_semantics<subcore_parallel>], iteration_bounds = array<i64: 2, 16>, scalar_prefetch = 0 : i64, scratch_operands = 20 : i64, tpu.core_type = #tpu.core_type<sc_vector_subcore>, window_params = [{transform_indices = #map}, {transform_indices = #map}, {transform_indices = #map1}, {transform_indices = #map1}, {transform_indices = #map1}, {transform_indices = #map1}, {transform_indices = #map1}, {transform_indices = #map1}, {transform_indices = #map1}, {transform_indices = #map1}]} {
    %mul3A = arith.constant 2 : i32
    %mul3A_0 = arith.muli %arg1, %mul3A : i32
    %add3A = arith.addi %mul3A_0, %arg0 : i32
    "tpu.region"() ({
      %run_scoped3A = tpu.sem_alloc : memref<!tpu.dma_semaphore, #tpu.memory_space<semaphore_mem>>
      %dma_start3A_70 = arith.constant 0 : i32
      %dma_start3A_71 = arith.constant 0 : i32
      %dma_start3A_72 = tpu.memref_slice %arg2[%add3A, %dma_start3A_70, %dma_start3A_71] : memref<32x24x48xi32, #tpu.memory_space<hbm>> -> memref<1x24x48xi32, #tpu.memory_space<hbm>>
      %dma_start3A_73 = tpu.memref_squeeze %dma_start3A_72 : memref<1x24x48xi32, #tpu.memory_space<hbm>> -> memref<24x48xi32, #tpu.memory_space<hbm>>
      %dma_start3A_74 = arith.constant 0 : i32
      %dma_start3A_75 = arith.constant 0 : i32
      %dma_start3A_76 = tpu.memref_slice %arg2[%add3A, %dma_start3A_74, %dma_start3A_75] : memref<32x24x48xi32, #tpu.memory_space<hbm>> -> memref<1x24x48xi32, #tpu.memory_space<hbm>>
      %dma_start3A_77 = tpu.memref_squeeze %dma_start3A_76 : memref<1x24x48xi32, #tpu.memory_space<hbm>> -> memref<24x48xi32, #tpu.memory_space<hbm>>
      tpu.enqueue_dma source(%dma_start3A_77 : memref<24x48xi32, #tpu.memory_space<hbm>>) target(%arg12 : memref<24x48xi32, #tpu.memory_space<vmem>>) target_semaphore(%run_scoped3A : memref<!tpu.dma_semaphore, #tpu.memory_space<semaphore_mem>>)
      %dma_wait3A_78 = arith.constant 0 : i32
      %dma_wait3A_79 = arith.constant 0 : i32
      %dma_wait3A_80 = tpu.memref_slice %arg2[%add3A, %dma_wait3A_78, %dma_wait3A_79] : memref<32x24x48xi32, #tpu.memory_space<hbm>> -> memref<1x24x48xi32, #tpu.memory_space<hbm>>
      %dma_wait3A_81 = tpu.memref_squeeze %dma_wait3A_80 : memref<1x24x48xi32, #tpu.memory_space<hbm>> -> memref<24x48xi32, #tpu.memory_space<hbm>>
      %dma_wait3A_82 = arith.constant 0 : i32
      %dma_wait3A_83 = arith.constant 0 : i32
      %dma_wait3A_84 = tpu.memref_slice %arg2[%add3A, %dma_wait3A_82, %dma_wait3A_83] : memref<32x24x48xi32, #tpu.memory_space<hbm>> -> memref<1x24x48xi32, #tpu.memory_space<hbm>>
      %dma_wait3A_85 = tpu.memref_squeeze %dma_wait3A_84 : memref<1x24x48xi32, #tpu.memory_space<hbm>> -> memref<24x48xi32, #tpu.memory_space<hbm>>
      tpu.wait_dma2 semaphore(%run_scoped3A : memref<!tpu.dma_semaphore, #tpu.memory_space<semaphore_mem>>) src(%dma_wait3A_85 : memref<24x48xi32, #tpu.memory_space<hbm>>) dst(%arg12 : memref<24x48xi32, #tpu.memory_space<vmem>>)
      tpu.yield
    }) : () -> ()
    "tpu.region"() ({
      %run_scoped3A = tpu.sem_alloc : memref<!tpu.dma_semaphore, #tpu.memory_space<semaphore_mem>>
      %dma_start3A_70 = arith.constant 0 : i32
      %dma_start3A_71 = arith.constant 0 : i32
      %dma_start3A_72 = tpu.memref_slice %arg3[%add3A, %dma_start3A_70, %dma_start3A_71] : memref<32x24x48xi32, #tpu.memory_space<hbm>> -> memref<1x24x48xi32, #tpu.memory_space<hbm>>
      %dma_start3A_73 = tpu.memref_squeeze %dma_start3A_72 : memref<1x24x48xi32, #tpu.memory_space<hbm>> -> memref<24x48xi32, #tpu.memory_space<hbm>>
      %dma_start3A_74 = arith.constant 0 : i32
      %dma_start3A_75 = arith.constant 0 : i32
      %dma_start3A_76 = tpu.memref_slice %arg3[%add3A, %dma_start3A_74, %dma_start3A_75] : memref<32x24x48xi32, #tpu.memory_space<hbm>> -> memref<1x24x48xi32, #tpu.memory_space<hbm>>
      %dma_start3A_77 = tpu.memref_squeeze %dma_start3A_76 : memref<1x24x48xi32, #tpu.memory_space<hbm>> -> memref<24x48xi32, #tpu.memory_space<hbm>>
      tpu.enqueue_dma source(%dma_start3A_77 : memref<24x48xi32, #tpu.memory_space<hbm>>) target(%arg13 : memref<24x48xi32, #tpu.memory_space<vmem>>) target_semaphore(%run_scoped3A : memref<!tpu.dma_semaphore, #tpu.memory_space<semaphore_mem>>)
      %dma_wait3A_78 = arith.constant 0 : i32
      %dma_wait3A_79 = arith.constant 0 : i32
      %dma_wait3A_80 = tpu.memref_slice %arg3[%add3A, %dma_wait3A_78, %dma_wait3A_79] : memref<32x24x48xi32, #tpu.memory_space<hbm>> -> memref<1x24x48xi32, #tpu.memory_space<hbm>>
      %dma_wait3A_81 = tpu.memref_squeeze %dma_wait3A_80 : memref<1x24x48xi32, #tpu.memory_space<hbm>> -> memref<24x48xi32, #tpu.memory_space<hbm>>
      %dma_wait3A_82 = arith.constant 0 : i32
      %dma_wait3A_83 = arith.constant 0 : i32
      %dma_wait3A_84 = tpu.memref_slice %arg3[%add3A, %dma_wait3A_82, %dma_wait3A_83] : memref<32x24x48xi32, #tpu.memory_space<hbm>> -> memref<1x24x48xi32, #tpu.memory_space<hbm>>
      %dma_wait3A_85 = tpu.memref_squeeze %dma_wait3A_84 : memref<1x24x48xi32, #tpu.memory_space<hbm>> -> memref<24x48xi32, #tpu.memory_space<hbm>>
      tpu.wait_dma2 semaphore(%run_scoped3A : memref<!tpu.dma_semaphore, #tpu.memory_space<semaphore_mem>>) src(%dma_wait3A_85 : memref<24x48xi32, #tpu.memory_space<hbm>>) dst(%arg13 : memref<24x48xi32, #tpu.memory_space<vmem>>)
      tpu.yield
    }) : () -> ()
    "tpu.region"() ({
      %run_scoped3A = tpu.sem_alloc : memref<!tpu.dma_semaphore, #tpu.memory_space<semaphore_mem>>
      tpu.enqueue_dma source(%arg8 : memref<48x128xf32, #tpu.memory_space<hbm>>) target(%arg18 : memref<48x128xf32, #tpu.memory_space<vmem>>) target_semaphore(%run_scoped3A : memref<!tpu.dma_semaphore, #tpu.memory_space<semaphore_mem>>)
      tpu.wait_dma2 semaphore(%run_scoped3A : memref<!tpu.dma_semaphore, #tpu.memory_space<semaphore_mem>>) src(%arg8 : memref<48x128xf32, #tpu.memory_space<hbm>>) dst(%arg18 : memref<48x128xf32, #tpu.memory_space<vmem>>)
      tpu.yield
    }) : () -> ()
    %mul3A_1 = arith.constant 32 : i32
    %mul3A_2 = arith.muli %arg1, %mul3A_1 : i32
    %mul3A_3 = arith.constant 32 : i32
    %mul3A_4 = arith.muli %arg1, %mul3A_3 : i32
    "tpu.region"() ({
      %run_scoped3A = tpu.sem_alloc : memref<!tpu.dma_semaphore, #tpu.memory_space<semaphore_mem>>
      %dma_start3A_70 = arith.constant 0 : i32
      %dma_start3A_71 = tpu.memref_slice %arg19[%mul3A_4, %dma_start3A_70] : memref<512x128xf32, #tpu.memory_space<vmem_shared>> -> memref<32x128xf32, #tpu.memory_space<vmem_shared>>
      %dma_start3A_72 = arith.constant 0 : i32
      %dma_start3A_73 = tpu.memref_slice %arg6[%mul3A_2, %dma_start3A_72] : memref<512x128xf32, #tpu.memory_space<hbm>> -> memref<32x128xf32, #tpu.memory_space<hbm>>
      tpu.enqueue_dma source(%dma_start3A_73 : memref<32x128xf32, #tpu.memory_space<hbm>>) target(%dma_start3A_71 : memref<32x128xf32, #tpu.memory_space<vmem_shared>>) target_semaphore(%run_scoped3A : memref<!tpu.dma_semaphore, #tpu.memory_space<semaphore_mem>>)
      %dma_wait3A_74 = arith.constant 0 : i32
      %dma_wait3A_75 = tpu.memref_slice %arg19[%mul3A_4, %dma_wait3A_74] : memref<512x128xf32, #tpu.memory_space<vmem_shared>> -> memref<32x128xf32, #tpu.memory_space<vmem_shared>>
      %dma_wait3A_76 = arith.constant 0 : i32
      %dma_wait3A_77 = tpu.memref_slice %arg6[%mul3A_2, %dma_wait3A_76] : memref<512x128xf32, #tpu.memory_space<hbm>> -> memref<32x128xf32, #tpu.memory_space<hbm>>
      tpu.wait_dma2 semaphore(%run_scoped3A : memref<!tpu.dma_semaphore, #tpu.memory_space<semaphore_mem>>) src(%dma_wait3A_77 : memref<32x128xf32, #tpu.memory_space<hbm>>) dst(%dma_wait3A_75 : memref<32x128xf32, #tpu.memory_space<vmem_shared>>)
      tpu.yield
    }) : () -> ()
    %mul3A_5 = arith.constant 32 : i32
    %mul3A_6 = arith.muli %arg1, %mul3A_5 : i32
    %mul3A_7 = arith.constant 32 : i32
    %mul3A_8 = arith.muli %arg1, %mul3A_7 : i32
    "tpu.region"() ({
      %run_scoped3A = tpu.sem_alloc : memref<!tpu.dma_semaphore, #tpu.memory_space<semaphore_mem>>
      %dma_start3A_70 = arith.constant 0 : i32
      %dma_start3A_71 = tpu.memref_slice %arg20[%mul3A_8, %dma_start3A_70] : memref<512x128xf32, #tpu.memory_space<vmem_shared>> -> memref<32x128xf32, #tpu.memory_space<vmem_shared>>
      %dma_start3A_72 = arith.constant 0 : i32
      %dma_start3A_73 = tpu.memref_slice %arg6[%mul3A_6, %dma_start3A_72] : memref<512x128xf32, #tpu.memory_space<hbm>> -> memref<32x128xf32, #tpu.memory_space<hbm>>
      tpu.enqueue_dma source(%dma_start3A_73 : memref<32x128xf32, #tpu.memory_space<hbm>>) target(%dma_start3A_71 : memref<32x128xf32, #tpu.memory_space<vmem_shared>>) target_semaphore(%run_scoped3A : memref<!tpu.dma_semaphore, #tpu.memory_space<semaphore_mem>>)
      %dma_wait3A_74 = arith.constant 0 : i32
      %dma_wait3A_75 = tpu.memref_slice %arg20[%mul3A_8, %dma_wait3A_74] : memref<512x128xf32, #tpu.memory_space<vmem_shared>> -> memref<32x128xf32, #tpu.memory_space<vmem_shared>>
      %dma_wait3A_76 = arith.constant 0 : i32
      %dma_wait3A_77 = tpu.memref_slice %arg6[%mul3A_6, %dma_wait3A_76] : memref<512x128xf32, #tpu.memory_space<hbm>> -> memref<32x128xf32, #tpu.memory_space<hbm>>
      tpu.wait_dma2 semaphore(%run_scoped3A : memref<!tpu.dma_semaphore, #tpu.memory_space<semaphore_mem>>) src(%dma_wait3A_77 : memref<32x128xf32, #tpu.memory_space<hbm>>) dst(%dma_wait3A_75 : memref<32x128xf32, #tpu.memory_space<vmem_shared>>)
      tpu.yield
    }) : () -> ()
    %mul3A_9 = arith.constant 32 : i32
    %mul3A_10 = arith.muli %arg1, %mul3A_9 : i32
    %mul3A_11 = arith.constant 32 : i32
    %mul3A_12 = arith.muli %arg1, %mul3A_11 : i32
    "tpu.region"() ({
      %run_scoped3A = tpu.sem_alloc : memref<!tpu.dma_semaphore, #tpu.memory_space<semaphore_mem>>
      %dma_start3A_70 = arith.constant 0 : i32
      %dma_start3A_71 = tpu.memref_slice %arg21[%mul3A_12, %dma_start3A_70] : memref<512x128xf32, #tpu.memory_space<vmem_shared>> -> memref<32x128xf32, #tpu.memory_space<vmem_shared>>
      %dma_start3A_72 = arith.constant 0 : i32
      %dma_start3A_73 = tpu.memref_slice %arg7[%mul3A_10, %dma_start3A_72] : memref<512x128xf32, #tpu.memory_space<hbm>> -> memref<32x128xf32, #tpu.memory_space<hbm>>
      tpu.enqueue_dma source(%dma_start3A_73 : memref<32x128xf32, #tpu.memory_space<hbm>>) target(%dma_start3A_71 : memref<32x128xf32, #tpu.memory_space<vmem_shared>>) target_semaphore(%run_scoped3A : memref<!tpu.dma_semaphore, #tpu.memory_space<semaphore_mem>>)
      %dma_wait3A_74 = arith.constant 0 : i32
      %dma_wait3A_75 = tpu.memref_slice %arg21[%mul3A_12, %dma_wait3A_74] : memref<512x128xf32, #tpu.memory_space<vmem_shared>> -> memref<32x128xf32, #tpu.memory_space<vmem_shared>>
      %dma_wait3A_76 = arith.constant 0 : i32
      %dma_wait3A_77 = tpu.memref_slice %arg7[%mul3A_10, %dma_wait3A_76] : memref<512x128xf32, #tpu.memory_space<hbm>> -> memref<32x128xf32, #tpu.memory_space<hbm>>
      tpu.wait_dma2 semaphore(%run_scoped3A : memref<!tpu.dma_semaphore, #tpu.memory_space<semaphore_mem>>) src(%dma_wait3A_77 : memref<32x128xf32, #tpu.memory_space<hbm>>) dst(%dma_wait3A_75 : memref<32x128xf32, #tpu.memory_space<vmem_shared>>)
      tpu.yield
    }) : () -> ()
    %barrier3A = arith.constant 0 : index
    tpu.barrier barrier_id(%barrier3A)
    %dma_start3A = arith.constant 0 : i32
    %dma_start3A_13 = arith.constant 0 : i32
    %dma_start3A_14 = tpu.memref_slice %arg12[%dma_start3A, %dma_start3A_13] : memref<24x48xi32, #tpu.memory_space<vmem>> -> memref<1x48xi32, #tpu.memory_space<vmem>>
    %dma_start3A_15 = tpu.memref_squeeze %dma_start3A_14 : memref<1x48xi32, #tpu.memory_space<vmem>> -> memref<48xi32, #tpu.memory_space<vmem>>
    %dma_start3A_16 = arith.constant 0 : i32
    %dma_start3A_17 = arith.constant 0 : i32
    %dma_start3A_18 = tpu.memref_slice %arg4[%dma_start3A_16, %dma_start3A_17] : memref<2000x128xf32, #tpu.memory_space<hbm>> -> memref<2000x128xf32, #tpu.memory_space<hbm>>
    tpu.enqueue_indirect_dma source(%dma_start3A_18 : memref<2000x128xf32, #tpu.memory_space<hbm>>) target(%arg14 : memref<48x128xf32, #tpu.memory_space<vmem>>) offsets(%dma_start3A_15 : memref<48xi32, #tpu.memory_space<vmem>>) semaphore(%arg22 : memref<!tpu.dma_semaphore, #tpu.memory_space<semaphore_mem>>)
    %dma_start3A_19 = arith.constant 0 : i32
    %dma_start3A_20 = arith.constant 0 : i32
    %dma_start3A_21 = tpu.memref_slice %arg12[%dma_start3A_19, %dma_start3A_20] : memref<24x48xi32, #tpu.memory_space<vmem>> -> memref<1x48xi32, #tpu.memory_space<vmem>>
    %dma_start3A_22 = tpu.memref_squeeze %dma_start3A_21 : memref<1x48xi32, #tpu.memory_space<vmem>> -> memref<48xi32, #tpu.memory_space<vmem>>
    %dma_start3A_23 = arith.constant 0 : i32
    %dma_start3A_24 = arith.constant 0 : i32
    %dma_start3A_25 = tpu.memref_slice %arg5[%dma_start3A_23, %dma_start3A_24] : memref<2000x128xf32, #tpu.memory_space<hbm>> -> memref<2000x128xf32, #tpu.memory_space<hbm>>
    tpu.enqueue_indirect_dma source(%dma_start3A_25 : memref<2000x128xf32, #tpu.memory_space<hbm>>) target(%arg16 : memref<48x128xf32, #tpu.memory_space<vmem>>) offsets(%dma_start3A_22 : memref<48xi32, #tpu.memory_space<vmem>>) semaphore(%arg24 : memref<!tpu.dma_semaphore, #tpu.memory_space<semaphore_mem>>)
    %scan3A = arith.constant 0 : i32
    %scan3A_26 = arith.constant 0 : i32
    %scan3A_27 = arith.constant 12 : i32
    %scan3A_28 = arith.addi %scan3A_26, %scan3A_27 : i32
    %scan3A_29 = arith.constant 1 : i32
    scf.for %scan3A_70 = %scan3A_26 to %scan3A_28 step %scan3A_29  : i32 {
      %mul3A_71 = arith.constant 2 : i32
      %mul3A_72 = arith.muli %mul3A_71, %scan3A_70 : i32
      %add3A_73 = arith.constant 0 : i32
      %add3A_74 = arith.addi %mul3A_72, %add3A_73 : i32
      %dma_wait3A_75 = arith.constant 0 : i32
      %dma_wait3A_76 = tpu.memref_slice %arg12[%add3A_74, %dma_wait3A_75] : memref<24x48xi32, #tpu.memory_space<vmem>> -> memref<1x48xi32, #tpu.memory_space<vmem>>
      %dma_wait3A_77 = tpu.memref_squeeze %dma_wait3A_76 : memref<1x48xi32, #tpu.memory_space<vmem>> -> memref<48xi32, #tpu.memory_space<vmem>>
      %dma_wait3A_78 = arith.constant 0 : i32
      %dma_wait3A_79 = arith.constant 0 : i32
      %dma_wait3A_80 = tpu.memref_slice %arg4[%dma_wait3A_78, %dma_wait3A_79] : memref<2000x128xf32, #tpu.memory_space<hbm>> -> memref<2000x128xf32, #tpu.memory_space<hbm>>
      tpu.wait_indirect_dma semaphore(%arg22 : memref<!tpu.dma_semaphore, #tpu.memory_space<semaphore_mem>>) src(%dma_wait3A_80 : memref<2000x128xf32, #tpu.memory_space<hbm>>) dst(%arg14 : memref<48x128xf32, #tpu.memory_space<vmem>>)
      %dma_wait3A_81 = arith.constant 0 : i32
      %dma_wait3A_82 = tpu.memref_slice %arg12[%add3A_74, %dma_wait3A_81] : memref<24x48xi32, #tpu.memory_space<vmem>> -> memref<1x48xi32, #tpu.memory_space<vmem>>
      %dma_wait3A_83 = tpu.memref_squeeze %dma_wait3A_82 : memref<1x48xi32, #tpu.memory_space<vmem>> -> memref<48xi32, #tpu.memory_space<vmem>>
      %dma_wait3A_84 = arith.constant 0 : i32
      %dma_wait3A_85 = arith.constant 0 : i32
      %dma_wait3A_86 = tpu.memref_slice %arg5[%dma_wait3A_84, %dma_wait3A_85] : memref<2000x128xf32, #tpu.memory_space<hbm>> -> memref<2000x128xf32, #tpu.memory_space<hbm>>
      tpu.wait_indirect_dma semaphore(%arg24 : memref<!tpu.dma_semaphore, #tpu.memory_space<semaphore_mem>>) src(%dma_wait3A_86 : memref<2000x128xf32, #tpu.memory_space<hbm>>) dst(%arg16 : memref<48x128xf32, #tpu.memory_space<vmem>>)
      %ge3A = arith.constant 1 : i32
      %ge3A_87 = arith.cmpi sge, %add3A_74, %ge3A : i32
      %convert_element_type3A = arith.extui %ge3A_87 : i1 to i32
      %cond3A = arith.constant 0 : i32
      %cond3A_88 = arith.cmpi ne, %convert_element_type3A, %cond3A : i32
      scf.if %cond3A_88 {
        %dma_wait3A_169 = arith.constant 0 : i32
        %dma_wait3A_170 = tpu.memref_slice %arg13[%add3A_74, %dma_wait3A_169] : memref<24x48xi32, #tpu.memory_space<vmem>> -> memref<1x48xi32, #tpu.memory_space<vmem>>
        %dma_wait3A_171 = tpu.memref_squeeze %dma_wait3A_170 : memref<1x48xi32, #tpu.memory_space<vmem>> -> memref<48xi32, #tpu.memory_space<vmem>>
        %dma_wait3A_172 = arith.constant 0 : i32
        %dma_wait3A_173 = arith.constant 0 : i32
        %dma_wait3A_174 = tpu.memref_slice %arg19[%dma_wait3A_172, %dma_wait3A_173] : memref<512x128xf32, #tpu.memory_space<vmem_shared>> -> memref<512x128xf32, #tpu.memory_space<vmem_shared>>
        tpu.wait_indirect_dma semaphore(%arg27 : memref<!tpu.dma_semaphore, #tpu.memory_space<semaphore_mem>>) src(%arg15 : memref<48x128xf32, #tpu.memory_space<vmem>>) dst(%dma_wait3A_174 : memref<512x128xf32, #tpu.memory_space<vmem_shared>>)
        %dma_wait3A_175 = arith.constant 0 : i32
        %dma_wait3A_176 = tpu.memref_slice %arg13[%add3A_74, %dma_wait3A_175] : memref<24x48xi32, #tpu.memory_space<vmem>> -> memref<1x48xi32, #tpu.memory_space<vmem>>
        %dma_wait3A_177 = tpu.memref_squeeze %dma_wait3A_176 : memref<1x48xi32, #tpu.memory_space<vmem>> -> memref<48xi32, #tpu.memory_space<vmem>>
        %dma_wait3A_178 = arith.constant 0 : i32
        %dma_wait3A_179 = arith.constant 0 : i32
        %dma_wait3A_180 = tpu.memref_slice %arg20[%dma_wait3A_178, %dma_wait3A_179] : memref<512x128xf32, #tpu.memory_space<vmem_shared>> -> memref<512x128xf32, #tpu.memory_space<vmem_shared>>
        tpu.wait_indirect_dma semaphore(%arg29 : memref<!tpu.dma_semaphore, #tpu.memory_space<semaphore_mem>>) src(%arg17 : memref<48x128xf32, #tpu.memory_space<vmem>>) dst(%dma_wait3A_180 : memref<512x128xf32, #tpu.memory_space<vmem_shared>>)
      } else {
      }
      %add3A_89 = arith.constant 1 : i32
      %add3A_90 = arith.addi %add3A_74, %add3A_89 : i32
      %lt3A = arith.constant 24 : i32
      %lt3A_91 = arith.cmpi slt, %add3A_90, %lt3A : i32
      %convert_element_type3A_92 = arith.extui %lt3A_91 : i1 to i32
      %cond3A_93 = arith.constant 0 : i32
      %cond3A_94 = arith.cmpi ne, %convert_element_type3A_92, %cond3A_93 : i32
      scf.if %cond3A_94 {
        %add3A_169 = arith.constant 1 : i32
        %add3A_170 = arith.addi %add3A_74, %add3A_169 : i32
        %dma_start3A_171 = arith.constant 0 : i32
        %dma_start3A_172 = tpu.memref_slice %arg12[%add3A_170, %dma_start3A_171] : memref<24x48xi32, #tpu.memory_space<vmem>> -> memref<1x48xi32, #tpu.memory_space<vmem>>
        %dma_start3A_173 = tpu.memref_squeeze %dma_start3A_172 : memref<1x48xi32, #tpu.memory_space<vmem>> -> memref<48xi32, #tpu.memory_space<vmem>>
        %dma_start3A_174 = arith.constant 0 : i32
        %dma_start3A_175 = arith.constant 0 : i32
        %dma_start3A_176 = tpu.memref_slice %arg4[%dma_start3A_174, %dma_start3A_175] : memref<2000x128xf32, #tpu.memory_space<hbm>> -> memref<2000x128xf32, #tpu.memory_space<hbm>>
        tpu.enqueue_indirect_dma source(%dma_start3A_176 : memref<2000x128xf32, #tpu.memory_space<hbm>>) target(%arg15 : memref<48x128xf32, #tpu.memory_space<vmem>>) offsets(%dma_start3A_173 : memref<48xi32, #tpu.memory_space<vmem>>) semaphore(%arg23 : memref<!tpu.dma_semaphore, #tpu.memory_space<semaphore_mem>>)
        %add3A_177 = arith.constant 1 : i32
        %add3A_178 = arith.addi %add3A_74, %add3A_177 : i32
        %dma_start3A_179 = arith.constant 0 : i32
        %dma_start3A_180 = tpu.memref_slice %arg12[%add3A_178, %dma_start3A_179] : memref<24x48xi32, #tpu.memory_space<vmem>> -> memref<1x48xi32, #tpu.memory_space<vmem>>
        %dma_start3A_181 = tpu.memref_squeeze %dma_start3A_180 : memref<1x48xi32, #tpu.memory_space<vmem>> -> memref<48xi32, #tpu.memory_space<vmem>>
        %dma_start3A_182 = arith.constant 0 : i32
        %dma_start3A_183 = arith.constant 0 : i32
        %dma_start3A_184 = tpu.memref_slice %arg5[%dma_start3A_182, %dma_start3A_183] : memref<2000x128xf32, #tpu.memory_space<hbm>> -> memref<2000x128xf32, #tpu.memory_space<hbm>>
        tpu.enqueue_indirect_dma source(%dma_start3A_184 : memref<2000x128xf32, #tpu.memory_space<hbm>>) target(%arg17 : memref<48x128xf32, #tpu.memory_space<vmem>>) offsets(%dma_start3A_181 : memref<48xi32, #tpu.memory_space<vmem>>) semaphore(%arg25 : memref<!tpu.dma_semaphore, #tpu.memory_space<semaphore_mem>>)
      } else {
      }
      %dma_start3A_95 = arith.constant 0 : i32
      %dma_start3A_96 = tpu.memref_slice %arg13[%add3A_74, %dma_start3A_95] : memref<24x48xi32, #tpu.memory_space<vmem>> -> memref<1x48xi32, #tpu.memory_space<vmem>>
      %dma_start3A_97 = tpu.memref_squeeze %dma_start3A_96 : memref<1x48xi32, #tpu.memory_space<vmem>> -> memref<48xi32, #tpu.memory_space<vmem>>
      %dma_start3A_98 = arith.constant 0 : i32
      %dma_start3A_99 = arith.constant 0 : i32
      %dma_start3A_100 = tpu.memref_slice %arg19[%dma_start3A_98, %dma_start3A_99] : memref<512x128xf32, #tpu.memory_space<vmem_shared>> -> memref<512x128xf32, #tpu.memory_space<vmem_shared>>
      tpu.enqueue_indirect_dma source(%arg14 : memref<48x128xf32, #tpu.memory_space<vmem>>) target(%dma_start3A_100 : memref<512x128xf32, #tpu.memory_space<vmem_shared>>) offsets(%dma_start3A_97 : memref<48xi32, #tpu.memory_space<vmem>>) semaphore(%arg26 : memref<!tpu.dma_semaphore, #tpu.memory_space<semaphore_mem>>) {add = true}
      %dma_start3A_101 = arith.constant 0 : i32
      %dma_start3A_102 = tpu.memref_slice %arg13[%add3A_74, %dma_start3A_101] : memref<24x48xi32, #tpu.memory_space<vmem>> -> memref<1x48xi32, #tpu.memory_space<vmem>>
      %dma_start3A_103 = tpu.memref_squeeze %dma_start3A_102 : memref<1x48xi32, #tpu.memory_space<vmem>> -> memref<48xi32, #tpu.memory_space<vmem>>
      %dma_start3A_104 = arith.constant 0 : i32
      %dma_start3A_105 = arith.constant 0 : i32
      %dma_start3A_106 = tpu.memref_slice %arg20[%dma_start3A_104, %dma_start3A_105] : memref<512x128xf32, #tpu.memory_space<vmem_shared>> -> memref<512x128xf32, #tpu.memory_space<vmem_shared>>
      tpu.enqueue_indirect_dma source(%arg16 : memref<48x128xf32, #tpu.memory_space<vmem>>) target(%dma_start3A_106 : memref<512x128xf32, #tpu.memory_space<vmem_shared>>) offsets(%dma_start3A_103 : memref<48xi32, #tpu.memory_space<vmem>>) semaphore(%arg28 : memref<!tpu.dma_semaphore, #tpu.memory_space<semaphore_mem>>) {add = true}
      %ge3A_107 = arith.constant 2 : i32
      %ge3A_108 = arith.cmpi sge, %add3A_74, %ge3A_107 : i32
      %convert_element_type3A_109 = arith.extui %ge3A_108 : i1 to i32
      %cond3A_110 = arith.constant 0 : i32
      %cond3A_111 = arith.cmpi ne, %convert_element_type3A_109, %cond3A_110 : i32
      scf.if %cond3A_111 {
        %dma_wait3A_169 = arith.constant 0 : i32
        %dma_wait3A_170 = tpu.memref_slice %arg13[%add3A_74, %dma_wait3A_169] : memref<24x48xi32, #tpu.memory_space<vmem>> -> memref<1x48xi32, #tpu.memory_space<vmem>>
        %dma_wait3A_171 = tpu.memref_squeeze %dma_wait3A_170 : memref<1x48xi32, #tpu.memory_space<vmem>> -> memref<48xi32, #tpu.memory_space<vmem>>
        %dma_wait3A_172 = arith.constant 0 : i32
        %dma_wait3A_173 = arith.constant 0 : i32
        %dma_wait3A_174 = tpu.memref_slice %arg21[%dma_wait3A_172, %dma_wait3A_173] : memref<512x128xf32, #tpu.memory_space<vmem_shared>> -> memref<512x128xf32, #tpu.memory_space<vmem_shared>>
        tpu.wait_indirect_dma semaphore(%arg30 : memref<!tpu.dma_semaphore, #tpu.memory_space<semaphore_mem>>) src(%arg18 : memref<48x128xf32, #tpu.memory_space<vmem>>) dst(%dma_wait3A_174 : memref<512x128xf32, #tpu.memory_space<vmem_shared>>)
      } else {
      }
      %dma_start3A_112 = arith.constant 0 : i32
      %dma_start3A_113 = tpu.memref_slice %arg13[%add3A_74, %dma_start3A_112] : memref<24x48xi32, #tpu.memory_space<vmem>> -> memref<1x48xi32, #tpu.memory_space<vmem>>
      %dma_start3A_114 = tpu.memref_squeeze %dma_start3A_113 : memref<1x48xi32, #tpu.memory_space<vmem>> -> memref<48xi32, #tpu.memory_space<vmem>>
      %dma_start3A_115 = arith.constant 0 : i32
      %dma_start3A_116 = arith.constant 0 : i32
      %dma_start3A_117 = tpu.memref_slice %arg21[%dma_start3A_115, %dma_start3A_116] : memref<512x128xf32, #tpu.memory_space<vmem_shared>> -> memref<512x128xf32, #tpu.memory_space<vmem_shared>>
      tpu.enqueue_indirect_dma source(%arg18 : memref<48x128xf32, #tpu.memory_space<vmem>>) target(%dma_start3A_117 : memref<512x128xf32, #tpu.memory_space<vmem_shared>>) offsets(%dma_start3A_114 : memref<48xi32, #tpu.memory_space<vmem>>) semaphore(%arg30 : memref<!tpu.dma_semaphore, #tpu.memory_space<semaphore_mem>>) {add = true}
      %mul3A_118 = arith.constant 2 : i32
      %mul3A_119 = arith.muli %mul3A_118, %scan3A_70 : i32
      %add3A_120 = arith.constant 1 : i32
      %add3A_121 = arith.addi %mul3A_119, %add3A_120 : i32
      %dma_wait3A_122 = arith.constant 0 : i32
      %dma_wait3A_123 = tpu.memref_slice %arg12[%add3A_121, %dma_wait3A_122] : memref<24x48xi32, #tpu.memory_space<vmem>> -> memref<1x48xi32, #tpu.memory_space<vmem>>
      %dma_wait3A_124 = tpu.memref_squeeze %dma_wait3A_123 : memref<1x48xi32, #tpu.memory_space<vmem>> -> memref<48xi32, #tpu.memory_space<vmem>>
      %dma_wait3A_125 = arith.constant 0 : i32
      %dma_wait3A_126 = arith.constant 0 : i32
      %dma_wait3A_127 = tpu.memref_slice %arg4[%dma_wait3A_125, %dma_wait3A_126] : memref<2000x128xf32, #tpu.memory_space<hbm>> -> memref<2000x128xf32, #tpu.memory_space<hbm>>
      tpu.wait_indirect_dma semaphore(%arg23 : memref<!tpu.dma_semaphore, #tpu.memory_space<semaphore_mem>>) src(%dma_wait3A_127 : memref<2000x128xf32, #tpu.memory_space<hbm>>) dst(%arg15 : memref<48x128xf32, #tpu.memory_space<vmem>>)
      %dma_wait3A_128 = arith.constant 0 : i32
      %dma_wait3A_129 = tpu.memref_slice %arg12[%add3A_121, %dma_wait3A_128] : memref<24x48xi32, #tpu.memory_space<vmem>> -> memref<1x48xi32, #tpu.memory_space<vmem>>
      %dma_wait3A_130 = tpu.memref_squeeze %dma_wait3A_129 : memref<1x48xi32, #tpu.memory_space<vmem>> -> memref<48xi32, #tpu.memory_space<vmem>>
      %dma_wait3A_131 = arith.constant 0 : i32
      %dma_wait3A_132 = arith.constant 0 : i32
      %dma_wait3A_133 = tpu.memref_slice %arg5[%dma_wait3A_131, %dma_wait3A_132] : memref<2000x128xf32, #tpu.memory_space<hbm>> -> memref<2000x128xf32, #tpu.memory_space<hbm>>
      tpu.wait_indirect_dma semaphore(%arg25 : memref<!tpu.dma_semaphore, #tpu.memory_space<semaphore_mem>>) src(%dma_wait3A_133 : memref<2000x128xf32, #tpu.memory_space<hbm>>) dst(%arg17 : memref<48x128xf32, #tpu.memory_space<vmem>>)
      %ge3A_134 = arith.constant 1 : i32
      %ge3A_135 = arith.cmpi sge, %add3A_121, %ge3A_134 : i32
      %convert_element_type3A_136 = arith.extui %ge3A_135 : i1 to i32
      %cond3A_137 = arith.constant 0 : i32
      %cond3A_138 = arith.cmpi ne, %convert_element_type3A_136, %cond3A_137 : i32
      scf.if %cond3A_138 {
        %dma_wait3A_169 = arith.constant 0 : i32
        %dma_wait3A_170 = tpu.memref_slice %arg13[%add3A_121, %dma_wait3A_169] : memref<24x48xi32, #tpu.memory_space<vmem>> -> memref<1x48xi32, #tpu.memory_space<vmem>>
        %dma_wait3A_171 = tpu.memref_squeeze %dma_wait3A_170 : memref<1x48xi32, #tpu.memory_space<vmem>> -> memref<48xi32, #tpu.memory_space<vmem>>
        %dma_wait3A_172 = arith.constant 0 : i32
        %dma_wait3A_173 = arith.constant 0 : i32
        %dma_wait3A_174 = tpu.memref_slice %arg19[%dma_wait3A_172, %dma_wait3A_173] : memref<512x128xf32, #tpu.memory_space<vmem_shared>> -> memref<512x128xf32, #tpu.memory_space<vmem_shared>>
        tpu.wait_indirect_dma semaphore(%arg26 : memref<!tpu.dma_semaphore, #tpu.memory_space<semaphore_mem>>) src(%arg14 : memref<48x128xf32, #tpu.memory_space<vmem>>) dst(%dma_wait3A_174 : memref<512x128xf32, #tpu.memory_space<vmem_shared>>)
        %dma_wait3A_175 = arith.constant 0 : i32
        %dma_wait3A_176 = tpu.memref_slice %arg13[%add3A_121, %dma_wait3A_175] : memref<24x48xi32, #tpu.memory_space<vmem>> -> memref<1x48xi32, #tpu.memory_space<vmem>>
        %dma_wait3A_177 = tpu.memref_squeeze %dma_wait3A_176 : memref<1x48xi32, #tpu.memory_space<vmem>> -> memref<48xi32, #tpu.memory_space<vmem>>
        %dma_wait3A_178 = arith.constant 0 : i32
        %dma_wait3A_179 = arith.constant 0 : i32
        %dma_wait3A_180 = tpu.memref_slice %arg20[%dma_wait3A_178, %dma_wait3A_179] : memref<512x128xf32, #tpu.memory_space<vmem_shared>> -> memref<512x128xf32, #tpu.memory_space<vmem_shared>>
        tpu.wait_indirect_dma semaphore(%arg28 : memref<!tpu.dma_semaphore, #tpu.memory_space<semaphore_mem>>) src(%arg16 : memref<48x128xf32, #tpu.memory_space<vmem>>) dst(%dma_wait3A_180 : memref<512x128xf32, #tpu.memory_space<vmem_shared>>)
      } else {
      }
      %add3A_139 = arith.constant 1 : i32
      %add3A_140 = arith.addi %add3A_121, %add3A_139 : i32
      %lt3A_141 = arith.constant 24 : i32
      %lt3A_142 = arith.cmpi slt, %add3A_140, %lt3A_141 : i32
      %convert_element_type3A_143 = arith.extui %lt3A_142 : i1 to i32
      %cond3A_144 = arith.constant 0 : i32
      %cond3A_145 = arith.cmpi ne, %convert_element_type3A_143, %cond3A_144 : i32
      scf.if %cond3A_145 {
        %add3A_169 = arith.constant 1 : i32
        %add3A_170 = arith.addi %add3A_121, %add3A_169 : i32
        %dma_start3A_171 = arith.constant 0 : i32
        %dma_start3A_172 = tpu.memref_slice %arg12[%add3A_170, %dma_start3A_171] : memref<24x48xi32, #tpu.memory_space<vmem>> -> memref<1x48xi32, #tpu.memory_space<vmem>>
        %dma_start3A_173 = tpu.memref_squeeze %dma_start3A_172 : memref<1x48xi32, #tpu.memory_space<vmem>> -> memref<48xi32, #tpu.memory_space<vmem>>
        %dma_start3A_174 = arith.constant 0 : i32
        %dma_start3A_175 = arith.constant 0 : i32
        %dma_start3A_176 = tpu.memref_slice %arg4[%dma_start3A_174, %dma_start3A_175] : memref<2000x128xf32, #tpu.memory_space<hbm>> -> memref<2000x128xf32, #tpu.memory_space<hbm>>
        tpu.enqueue_indirect_dma source(%dma_start3A_176 : memref<2000x128xf32, #tpu.memory_space<hbm>>) target(%arg14 : memref<48x128xf32, #tpu.memory_space<vmem>>) offsets(%dma_start3A_173 : memref<48xi32, #tpu.memory_space<vmem>>) semaphore(%arg22 : memref<!tpu.dma_semaphore, #tpu.memory_space<semaphore_mem>>)
        %add3A_177 = arith.constant 1 : i32
        %add3A_178 = arith.addi %add3A_121, %add3A_177 : i32
        %dma_start3A_179 = arith.constant 0 : i32
        %dma_start3A_180 = tpu.memref_slice %arg12[%add3A_178, %dma_start3A_179] : memref<24x48xi32, #tpu.memory_space<vmem>> -> memref<1x48xi32, #tpu.memory_space<vmem>>
        %dma_start3A_181 = tpu.memref_squeeze %dma_start3A_180 : memref<1x48xi32, #tpu.memory_space<vmem>> -> memref<48xi32, #tpu.memory_space<vmem>>
        %dma_start3A_182 = arith.constant 0 : i32
        %dma_start3A_183 = arith.constant 0 : i32
        %dma_start3A_184 = tpu.memref_slice %arg5[%dma_start3A_182, %dma_start3A_183] : memref<2000x128xf32, #tpu.memory_space<hbm>> -> memref<2000x128xf32, #tpu.memory_space<hbm>>
        tpu.enqueue_indirect_dma source(%dma_start3A_184 : memref<2000x128xf32, #tpu.memory_space<hbm>>) target(%arg16 : memref<48x128xf32, #tpu.memory_space<vmem>>) offsets(%dma_start3A_181 : memref<48xi32, #tpu.memory_space<vmem>>) semaphore(%arg24 : memref<!tpu.dma_semaphore, #tpu.memory_space<semaphore_mem>>)
      } else {
      }
      %dma_start3A_146 = arith.constant 0 : i32
      %dma_start3A_147 = tpu.memref_slice %arg13[%add3A_121, %dma_start3A_146] : memref<24x48xi32, #tpu.memory_space<vmem>> -> memref<1x48xi32, #tpu.memory_space<vmem>>
      %dma_start3A_148 = tpu.memref_squeeze %dma_start3A_147 : memref<1x48xi32, #tpu.memory_space<vmem>> -> memref<48xi32, #tpu.memory_space<vmem>>
      %dma_start3A_149 = arith.constant 0 : i32
      %dma_start3A_150 = arith.constant 0 : i32
      %dma_start3A_151 = tpu.memref_slice %arg19[%dma_start3A_149, %dma_start3A_150] : memref<512x128xf32, #tpu.memory_space<vmem_shared>> -> memref<512x128xf32, #tpu.memory_space<vmem_shared>>
      tpu.enqueue_indirect_dma source(%arg15 : memref<48x128xf32, #tpu.memory_space<vmem>>) target(%dma_start3A_151 : memref<512x128xf32, #tpu.memory_space<vmem_shared>>) offsets(%dma_start3A_148 : memref<48xi32, #tpu.memory_space<vmem>>) semaphore(%arg27 : memref<!tpu.dma_semaphore, #tpu.memory_space<semaphore_mem>>) {add = true}
      %dma_start3A_152 = arith.constant 0 : i32
      %dma_start3A_153 = tpu.memref_slice %arg13[%add3A_121, %dma_start3A_152] : memref<24x48xi32, #tpu.memory_space<vmem>> -> memref<1x48xi32, #tpu.memory_space<vmem>>
      %dma_start3A_154 = tpu.memref_squeeze %dma_start3A_153 : memref<1x48xi32, #tpu.memory_space<vmem>> -> memref<48xi32, #tpu.memory_space<vmem>>
      %dma_start3A_155 = arith.constant 0 : i32
      %dma_start3A_156 = arith.constant 0 : i32
      %dma_start3A_157 = tpu.memref_slice %arg20[%dma_start3A_155, %dma_start3A_156] : memref<512x128xf32, #tpu.memory_space<vmem_shared>> -> memref<512x128xf32, #tpu.memory_space<vmem_shared>>
      tpu.enqueue_indirect_dma source(%arg17 : memref<48x128xf32, #tpu.memory_space<vmem>>) target(%dma_start3A_157 : memref<512x128xf32, #tpu.memory_space<vmem_shared>>) offsets(%dma_start3A_154 : memref<48xi32, #tpu.memory_space<vmem>>) semaphore(%arg29 : memref<!tpu.dma_semaphore, #tpu.memory_space<semaphore_mem>>) {add = true}
      %ge3A_158 = arith.constant 2 : i32
      %ge3A_159 = arith.cmpi sge, %add3A_121, %ge3A_158 : i32
      %convert_element_type3A_160 = arith.extui %ge3A_159 : i1 to i32
      %cond3A_161 = arith.constant 0 : i32
      %cond3A_162 = arith.cmpi ne, %convert_element_type3A_160, %cond3A_161 : i32
      scf.if %cond3A_162 {
        %dma_wait3A_169 = arith.constant 0 : i32
        %dma_wait3A_170 = tpu.memref_slice %arg13[%add3A_121, %dma_wait3A_169] : memref<24x48xi32, #tpu.memory_space<vmem>> -> memref<1x48xi32, #tpu.memory_space<vmem>>
        %dma_wait3A_171 = tpu.memref_squeeze %dma_wait3A_170 : memref<1x48xi32, #tpu.memory_space<vmem>> -> memref<48xi32, #tpu.memory_space<vmem>>
        %dma_wait3A_172 = arith.constant 0 : i32
        %dma_wait3A_173 = arith.constant 0 : i32
        %dma_wait3A_174 = tpu.memref_slice %arg21[%dma_wait3A_172, %dma_wait3A_173] : memref<512x128xf32, #tpu.memory_space<vmem_shared>> -> memref<512x128xf32, #tpu.memory_space<vmem_shared>>
        tpu.wait_indirect_dma semaphore(%arg31 : memref<!tpu.dma_semaphore, #tpu.memory_space<semaphore_mem>>) src(%arg18 : memref<48x128xf32, #tpu.memory_space<vmem>>) dst(%dma_wait3A_174 : memref<512x128xf32, #tpu.memory_space<vmem_shared>>)
      } else {
      }
      %dma_start3A_163 = arith.constant 0 : i32
      %dma_start3A_164 = tpu.memref_slice %arg13[%add3A_121, %dma_start3A_163] : memref<24x48xi32, #tpu.memory_space<vmem>> -> memref<1x48xi32, #tpu.memory_space<vmem>>
      %dma_start3A_165 = tpu.memref_squeeze %dma_start3A_164 : memref<1x48xi32, #tpu.memory_space<vmem>> -> memref<48xi32, #tpu.memory_space<vmem>>
      %dma_start3A_166 = arith.constant 0 : i32
      %dma_start3A_167 = arith.constant 0 : i32
      %dma_start3A_168 = tpu.memref_slice %arg21[%dma_start3A_166, %dma_start3A_167] : memref<512x128xf32, #tpu.memory_space<vmem_shared>> -> memref<512x128xf32, #tpu.memory_space<vmem_shared>>
      tpu.enqueue_indirect_dma source(%arg18 : memref<48x128xf32, #tpu.memory_space<vmem>>) target(%dma_start3A_168 : memref<512x128xf32, #tpu.memory_space<vmem_shared>>) offsets(%dma_start3A_165 : memref<48xi32, #tpu.memory_space<vmem>>) semaphore(%arg31 : memref<!tpu.dma_semaphore, #tpu.memory_space<semaphore_mem>>) {add = true}
    }
    %scan3A_30 = arith.constant 12 : i32
    %dma_wait3A = arith.constant 0 : i32
    %dma_wait3A_31 = arith.constant 0 : i32
    %dma_wait3A_32 = tpu.memref_slice %arg13[%dma_wait3A, %dma_wait3A_31] : memref<24x48xi32, #tpu.memory_space<vmem>> -> memref<1x48xi32, #tpu.memory_space<vmem>>
    %dma_wait3A_33 = tpu.memref_squeeze %dma_wait3A_32 : memref<1x48xi32, #tpu.memory_space<vmem>> -> memref<48xi32, #tpu.memory_space<vmem>>
    %dma_wait3A_34 = arith.constant 0 : i32
    %dma_wait3A_35 = arith.constant 0 : i32
    %dma_wait3A_36 = tpu.memref_slice %arg19[%dma_wait3A_34, %dma_wait3A_35] : memref<512x128xf32, #tpu.memory_space<vmem_shared>> -> memref<512x128xf32, #tpu.memory_space<vmem_shared>>
    tpu.wait_indirect_dma semaphore(%arg27 : memref<!tpu.dma_semaphore, #tpu.memory_space<semaphore_mem>>) src(%arg15 : memref<48x128xf32, #tpu.memory_space<vmem>>) dst(%dma_wait3A_36 : memref<512x128xf32, #tpu.memory_space<vmem_shared>>)
    %dma_wait3A_37 = arith.constant 0 : i32
    %dma_wait3A_38 = arith.constant 0 : i32
    %dma_wait3A_39 = tpu.memref_slice %arg13[%dma_wait3A_37, %dma_wait3A_38] : memref<24x48xi32, #tpu.memory_space<vmem>> -> memref<1x48xi32, #tpu.memory_space<vmem>>
    %dma_wait3A_40 = tpu.memref_squeeze %dma_wait3A_39 : memref<1x48xi32, #tpu.memory_space<vmem>> -> memref<48xi32, #tpu.memory_space<vmem>>
    %dma_wait3A_41 = arith.constant 0 : i32
    %dma_wait3A_42 = arith.constant 0 : i32
    %dma_wait3A_43 = tpu.memref_slice %arg20[%dma_wait3A_41, %dma_wait3A_42] : memref<512x128xf32, #tpu.memory_space<vmem_shared>> -> memref<512x128xf32, #tpu.memory_space<vmem_shared>>
    tpu.wait_indirect_dma semaphore(%arg29 : memref<!tpu.dma_semaphore, #tpu.memory_space<semaphore_mem>>) src(%arg17 : memref<48x128xf32, #tpu.memory_space<vmem>>) dst(%dma_wait3A_43 : memref<512x128xf32, #tpu.memory_space<vmem_shared>>)
    %dma_wait3A_44 = arith.constant 0 : i32
    %dma_wait3A_45 = arith.constant 0 : i32
    %dma_wait3A_46 = tpu.memref_slice %arg13[%dma_wait3A_44, %dma_wait3A_45] : memref<24x48xi32, #tpu.memory_space<vmem>> -> memref<1x48xi32, #tpu.memory_space<vmem>>
    %dma_wait3A_47 = tpu.memref_squeeze %dma_wait3A_46 : memref<1x48xi32, #tpu.memory_space<vmem>> -> memref<48xi32, #tpu.memory_space<vmem>>
    %dma_wait3A_48 = arith.constant 0 : i32
    %dma_wait3A_49 = arith.constant 0 : i32
    %dma_wait3A_50 = tpu.memref_slice %arg21[%dma_wait3A_48, %dma_wait3A_49] : memref<512x128xf32, #tpu.memory_space<vmem_shared>> -> memref<512x128xf32, #tpu.memory_space<vmem_shared>>
    tpu.wait_indirect_dma semaphore(%arg30 : memref<!tpu.dma_semaphore, #tpu.memory_space<semaphore_mem>>) src(%arg18 : memref<48x128xf32, #tpu.memory_space<vmem>>) dst(%dma_wait3A_50 : memref<512x128xf32, #tpu.memory_space<vmem_shared>>)
    %dma_wait3A_51 = arith.constant 0 : i32
    %dma_wait3A_52 = arith.constant 0 : i32
    %dma_wait3A_53 = tpu.memref_slice %arg13[%dma_wait3A_51, %dma_wait3A_52] : memref<24x48xi32, #tpu.memory_space<vmem>> -> memref<1x48xi32, #tpu.memory_space<vmem>>
    %dma_wait3A_54 = tpu.memref_squeeze %dma_wait3A_53 : memref<1x48xi32, #tpu.memory_space<vmem>> -> memref<48xi32, #tpu.memory_space<vmem>>
    %dma_wait3A_55 = arith.constant 0 : i32
    %dma_wait3A_56 = arith.constant 0 : i32
    %dma_wait3A_57 = tpu.memref_slice %arg21[%dma_wait3A_55, %dma_wait3A_56] : memref<512x128xf32, #tpu.memory_space<vmem_shared>> -> memref<512x128xf32, #tpu.memory_space<vmem_shared>>
    tpu.wait_indirect_dma semaphore(%arg31 : memref<!tpu.dma_semaphore, #tpu.memory_space<semaphore_mem>>) src(%arg18 : memref<48x128xf32, #tpu.memory_space<vmem>>) dst(%dma_wait3A_57 : memref<512x128xf32, #tpu.memory_space<vmem_shared>>)
    %barrier3A_58 = arith.constant 0 : index
    tpu.barrier barrier_id(%barrier3A_58)
    %mul3A_59 = arith.constant 512 : i32
    %mul3A_60 = arith.muli %arg0, %mul3A_59 : i32
    %mul3A_61 = arith.constant 32 : i32
    %mul3A_62 = arith.muli %arg1, %mul3A_61 : i32
    %add3A_63 = arith.addi %mul3A_60, %mul3A_62 : i32
    %mul3A_64 = arith.constant 32 : i32
    %mul3A_65 = arith.muli %arg1, %mul3A_64 : i32
    "tpu.region"() ({
      %run_scoped3A = tpu.sem_alloc : memref<!tpu.dma_semaphore, #tpu.memory_space<semaphore_mem>>
      %dma_start3A_70 = arith.constant 0 : i32
      %dma_start3A_71 = tpu.memref_slice %arg9[%add3A_63, %dma_start3A_70] : memref<1024x128xf32, #tpu.memory_space<hbm>> -> memref<32x128xf32, #tpu.memory_space<hbm>>
      %dma_start3A_72 = arith.constant 0 : i32
      %dma_start3A_73 = tpu.memref_slice %arg19[%mul3A_65, %dma_start3A_72] : memref<512x128xf32, #tpu.memory_space<vmem_shared>> -> memref<32x128xf32, #tpu.memory_space<vmem_shared>>
      tpu.enqueue_dma source(%dma_start3A_73 : memref<32x128xf32, #tpu.memory_space<vmem_shared>>) target(%dma_start3A_71 : memref<32x128xf32, #tpu.memory_space<hbm>>) target_semaphore(%run_scoped3A : memref<!tpu.dma_semaphore, #tpu.memory_space<semaphore_mem>>)
      %dma_wait3A_74 = arith.constant 0 : i32
      %dma_wait3A_75 = tpu.memref_slice %arg9[%add3A_63, %dma_wait3A_74] : memref<1024x128xf32, #tpu.memory_space<hbm>> -> memref<32x128xf32, #tpu.memory_space<hbm>>
      %dma_wait3A_76 = arith.constant 0 : i32
      %dma_wait3A_77 = tpu.memref_slice %arg19[%mul3A_65, %dma_wait3A_76] : memref<512x128xf32, #tpu.memory_space<vmem_shared>> -> memref<32x128xf32, #tpu.memory_space<vmem_shared>>
      tpu.wait_dma2 semaphore(%run_scoped3A : memref<!tpu.dma_semaphore, #tpu.memory_space<semaphore_mem>>) src(%dma_wait3A_77 : memref<32x128xf32, #tpu.memory_space<vmem_shared>>) dst(%dma_wait3A_75 : memref<32x128xf32, #tpu.memory_space<hbm>>)
      tpu.yield
    }) : () -> ()
    %mul3A_66 = arith.constant 32 : i32
    %mul3A_67 = arith.muli %arg1, %mul3A_66 : i32
    "tpu.region"() ({
      %run_scoped3A = tpu.sem_alloc : memref<!tpu.dma_semaphore, #tpu.memory_space<semaphore_mem>>
      %dma_start3A_70 = arith.constant 0 : i32
      %dma_start3A_71 = tpu.memref_slice %arg10[%add3A_63, %dma_start3A_70] : memref<1024x128xf32, #tpu.memory_space<hbm>> -> memref<32x128xf32, #tpu.memory_space<hbm>>
      %dma_start3A_72 = arith.constant 0 : i32
      %dma_start3A_73 = tpu.memref_slice %arg20[%mul3A_67, %dma_start3A_72] : memref<512x128xf32, #tpu.memory_space<vmem_shared>> -> memref<32x128xf32, #tpu.memory_space<vmem_shared>>
      tpu.enqueue_dma source(%dma_start3A_73 : memref<32x128xf32, #tpu.memory_space<vmem_shared>>) target(%dma_start3A_71 : memref<32x128xf32, #tpu.memory_space<hbm>>) target_semaphore(%run_scoped3A : memref<!tpu.dma_semaphore, #tpu.memory_space<semaphore_mem>>)
      %dma_wait3A_74 = arith.constant 0 : i32
      %dma_wait3A_75 = tpu.memref_slice %arg10[%add3A_63, %dma_wait3A_74] : memref<1024x128xf32, #tpu.memory_space<hbm>> -> memref<32x128xf32, #tpu.memory_space<hbm>>
      %dma_wait3A_76 = arith.constant 0 : i32
      %dma_wait3A_77 = tpu.memref_slice %arg20[%mul3A_67, %dma_wait3A_76] : memref<512x128xf32, #tpu.memory_space<vmem_shared>> -> memref<32x128xf32, #tpu.memory_space<vmem_shared>>
      tpu.wait_dma2 semaphore(%run_scoped3A : memref<!tpu.dma_semaphore, #tpu.memory_space<semaphore_mem>>) src(%dma_wait3A_77 : memref<32x128xf32, #tpu.memory_space<vmem_shared>>) dst(%dma_wait3A_75 : memref<32x128xf32, #tpu.memory_space<hbm>>)
      tpu.yield
    }) : () -> ()
    %mul3A_68 = arith.constant 32 : i32
    %mul3A_69 = arith.muli %arg1, %mul3A_68 : i32
    "tpu.region"() ({
      %run_scoped3A = tpu.sem_alloc : memref<!tpu.dma_semaphore, #tpu.memory_space<semaphore_mem>>
      %dma_start3A_70 = arith.constant 0 : i32
      %dma_start3A_71 = tpu.memref_slice %arg11[%add3A_63, %dma_start3A_70] : memref<1024x128xf32, #tpu.memory_space<hbm>> -> memref<32x128xf32, #tpu.memory_space<hbm>>
      %dma_start3A_72 = arith.constant 0 : i32
      %dma_start3A_73 = tpu.memref_slice %arg21[%mul3A_69, %dma_start3A_72] : memref<512x128xf32, #tpu.memory_space<vmem_shared>> -> memref<32x128xf32, #tpu.memory_space<vmem_shared>>
      tpu.enqueue_dma source(%dma_start3A_73 : memref<32x128xf32, #tpu.memory_space<vmem_shared>>) target(%dma_start3A_71 : memref<32x128xf32, #tpu.memory_space<hbm>>) target_semaphore(%run_scoped3A : memref<!tpu.dma_semaphore, #tpu.memory_space<semaphore_mem>>)
      %dma_wait3A_74 = arith.constant 0 : i32
      %dma_wait3A_75 = tpu.memref_slice %arg11[%add3A_63, %dma_wait3A_74] : memref<1024x128xf32, #tpu.memory_space<hbm>> -> memref<32x128xf32, #tpu.memory_space<hbm>>
      %dma_wait3A_76 = arith.constant 0 : i32
      %dma_wait3A_77 = tpu.memref_slice %arg21[%mul3A_69, %dma_wait3A_76] : memref<512x128xf32, #tpu.memory_space<vmem_shared>> -> memref<32x128xf32, #tpu.memory_space<vmem_shared>>
      tpu.wait_dma2 semaphore(%run_scoped3A : memref<!tpu.dma_semaphore, #tpu.memory_space<semaphore_mem>>) src(%dma_wait3A_77 : memref<32x128xf32, #tpu.memory_space<vmem_shared>>) dst(%dma_wait3A_75 : memref<32x128xf32, #tpu.memory_space<hbm>>)
      tpu.yield
    }) : () -> ()
    return
  }
}

module attributes {stable_mosaic.version = 14 : i64} {
  func.func @body(%arg0: memref<2000x128xf32, #tpu.memory_space<vmem>>, %arg1: memref<4096x128xf32, #tpu.memory_space<vmem>>, %arg2: memref<4096x128xf32, #tpu.memory_space<vmem>>, %arg3: memref<128x256xf32, #tpu.memory_space<vmem>>, %arg4: memref<128x256xf32, #tpu.memory_space<vmem>>, %arg5: memref<1x256xf32, #tpu.memory_space<vmem>>, %arg6: memref<2000x256xf32, #tpu.memory_space<vmem>>) attributes {dimension_semantics = [], scalar_prefetch = 0 : i64, scratch_operands = 0 : i64, tpu.core_type = #tpu.core_type<tc>} {
    %get3A = arith.constant 0 : index
    %get3A_0 = arith.constant 0 : index
    %get3A_1 = vector.load %arg0[%get3A, %get3A_0] : memref<2000x128xf32, #tpu.memory_space<vmem>>, vector<2000x128xf32>
    %get3A_2 = arith.constant 0 : index
    %get3A_3 = arith.constant 0 : index
    %get3A_4 = vector.load %arg1[%get3A_2, %get3A_3] : memref<4096x128xf32, #tpu.memory_space<vmem>>, vector<4096x128xf32>
    %slice3A = vector.extract_strided_slice %get3A_4 {offsets = [0, 0], sizes = [2000, 128], strides = [1, 1]} : vector<4096x128xf32> to vector<2000x128xf32>
    %get3A_5 = arith.constant 0 : index
    %get3A_6 = arith.constant 0 : index
    %get3A_7 = vector.load %arg1[%get3A_5, %get3A_6] : memref<4096x128xf32, #tpu.memory_space<vmem>>, vector<4096x128xf32>
    %slice3A_8 = vector.extract_strided_slice %get3A_7 {offsets = [2048, 0], sizes = [2000, 128], strides = [1, 1]} : vector<4096x128xf32> to vector<2000x128xf32>
    %add3A = arith.addf %slice3A, %slice3A_8 : vector<2000x128xf32>
    %get3A_9 = arith.constant 0 : index
    %get3A_10 = arith.constant 0 : index
    %get3A_11 = vector.load %arg2[%get3A_9, %get3A_10] : memref<4096x128xf32, #tpu.memory_space<vmem>>, vector<4096x128xf32>
    %slice3A_12 = vector.extract_strided_slice %get3A_11 {offsets = [0, 0], sizes = [4096, 1], strides = [1, 1]} : vector<4096x128xf32> to vector<4096x1xf32>
    %slice3A_13 = vector.extract_strided_slice %slice3A_12 {offsets = [0, 0], sizes = [2000, 1], strides = [1, 1]} : vector<4096x1xf32> to vector<2000x1xf32>
    %slice3A_14 = vector.extract_strided_slice %slice3A_12 {offsets = [2048, 0], sizes = [2000, 1], strides = [1, 1]} : vector<4096x1xf32> to vector<2000x1xf32>
    %add3A_15 = arith.addf %slice3A_13, %slice3A_14 : vector<2000x1xf32>
    %max3A = arith.constant 1.000000e+00 : f32
    %max3A_16 = vector.broadcast %max3A : f32 to vector<2000x1xf32>
    %max3A_17 = arith.maximumf %add3A_15, %max3A_16 : vector<2000x1xf32>
    %div3A = vector.broadcast %max3A_17 : vector<2000x1xf32> to vector<2000x128xf32>
    %div3A_18 = arith.divf %add3A, %div3A : vector<2000x128xf32>
    %get3A_19 = arith.constant 0 : index
    %get3A_20 = arith.constant 0 : index
    %get3A_21 = vector.load %arg3[%get3A_19, %get3A_20] : memref<128x256xf32, #tpu.memory_space<vmem>>, vector<128x256xf32>
    %dot_general3A = arith.constant dense<0.000000e+00> : vector<2000x256xf32>
    %dot_general3A_22 = tpu.matmul %get3A_1, %get3A_21, %dot_general3A {dimension_numbers = #tpu.dot_dimension_numbers<[1], [0], [0], [1], [0, 0, 1, 1], [], []>, precision = #tpu.contract_precision<fp32>, transpose_lhs_hint = false} : vector<2000x128xf32>, vector<128x256xf32>, vector<2000x256xf32> -> vector<2000x256xf32>
    %get3A_23 = arith.constant 0 : index
    %get3A_24 = arith.constant 0 : index
    %get3A_25 = vector.load %arg4[%get3A_23, %get3A_24] : memref<128x256xf32, #tpu.memory_space<vmem>>, vector<128x256xf32>
    %dot_general3A_26 = arith.constant dense<0.000000e+00> : vector<2000x256xf32>
    %dot_general3A_27 = tpu.matmul %div3A_18, %get3A_25, %dot_general3A_26 {dimension_numbers = #tpu.dot_dimension_numbers<[1], [0], [0], [1], [0, 0, 1, 1], [], []>, precision = #tpu.contract_precision<fp32>, transpose_lhs_hint = false} : vector<2000x128xf32>, vector<128x256xf32>, vector<2000x256xf32> -> vector<2000x256xf32>
    %add3A_28 = arith.addf %dot_general3A_22, %dot_general3A_27 : vector<2000x256xf32>
    %get3A_29 = arith.constant 0 : index
    %get3A_30 = arith.constant 0 : index
    %get3A_31 = vector.load %arg5[%get3A_29, %get3A_30] : memref<1x256xf32, #tpu.memory_space<vmem>>, vector<1x256xf32>
    %add3A_32 = vector.broadcast %get3A_31 : vector<1x256xf32> to vector<2000x256xf32>
    %add3A_33 = arith.addf %add3A_28, %add3A_32 : vector<2000x256xf32>
    %mul3A = arith.mulf %get3A_1, %get3A_1 : vector<2000x128xf32>
    %reduce_sum3A = arith.constant dense<0.000000e+00> : vector<2000xf32>
    %reduce_sum3A_34 = vector.multi_reduction <add>, %mul3A, %reduce_sum3A [1] : vector<2000x128xf32> to vector<2000xf32>
    %broadcast_in_dim3A = vector.shape_cast %reduce_sum3A_34 : vector<2000xf32> to vector<2000x1xf32>
    %sqrt3A = math.sqrt %broadcast_in_dim3A : vector<2000x1xf32>
    %reduce_sum3A_35 = vector.shape_cast %sqrt3A : vector<2000x1xf32> to vector<1x2000x1xf32>
    %reduce_sum3A_36 = arith.constant dense<0.000000e+00> : vector<1xf32>
    %reduce_sum3A_37 = vector.multi_reduction <add>, %reduce_sum3A_35, %reduce_sum3A_36 [1, 2] : vector<1x2000x1xf32> to vector<1xf32>
    %reduce_sum3A_38 = vector.shape_cast %reduce_sum3A_37 : vector<1xf32> to vector<1x1x1xf32>
    %reduce_sum3A_39 = vector.extract %reduce_sum3A_38[0, 0, 0] : f32 from vector<1x1x1xf32>
    %div3A_40 = arith.constant 2.000000e+03 : f32
    %div3A_41 = arith.divf %reduce_sum3A_39, %div3A_40 : f32
    %mul3A_42 = arith.mulf %add3A_33, %add3A_33 : vector<2000x256xf32>
    %reduce_sum3A_43 = arith.constant dense<0.000000e+00> : vector<2000xf32>
    %reduce_sum3A_44 = vector.multi_reduction <add>, %mul3A_42, %reduce_sum3A_43 [1] : vector<2000x256xf32> to vector<2000xf32>
    %broadcast_in_dim3A_45 = vector.shape_cast %reduce_sum3A_44 : vector<2000xf32> to vector<2000x1xf32>
    %rsqrt3A = math.rsqrt %broadcast_in_dim3A_45 : vector<2000x1xf32>
    %mul3A_46 = vector.broadcast %div3A_41 : f32 to vector<2000x1xf32>
    %mul3A_47 = arith.mulf %mul3A_46, %rsqrt3A : vector<2000x1xf32>
    %mul3A_48 = vector.broadcast %mul3A_47 : vector<2000x1xf32> to vector<2000x256xf32>
    %mul3A_49 = arith.mulf %add3A_33, %mul3A_48 : vector<2000x256xf32>
    %ge3A = arith.constant 0.000000e+00 : f32
    %ge3A_50 = vector.broadcast %ge3A : f32 to vector<2000x256xf32>
    %ge3A_51 = arith.cmpf oge, %mul3A_49, %ge3A_50 : vector<2000x256xf32>
    %mul3A_52 = arith.constant 0.00999999977 : f32
    %mul3A_53 = vector.broadcast %mul3A_52 : f32 to vector<2000x256xf32>
    %mul3A_54 = arith.mulf %mul3A_49, %mul3A_53 : vector<2000x256xf32>
    %select_n3A = arith.select %ge3A_51, %mul3A_49, %mul3A_54 : vector<2000x256xi1>, vector<2000x256xf32>
    %swap3A = arith.constant 0 : index
    %swap3A_55 = arith.constant 0 : index
    %swap3A_56 = vector.load %arg6[%swap3A, %swap3A_55] : memref<2000x256xf32, #tpu.memory_space<vmem>>, vector<2000x256xf32>
    tpu.vector_store %arg6[%swap3A, %swap3A_55], %select_n3A {strides = array<i32>} : memref<2000x256xf32, #tpu.memory_space<vmem>>, vector<2000x256xf32>,
    return
  }
}

module attributes {stable_mosaic.version = 14 : i64} {
  func.func @body(%arg0: memref<500x256xf32, #tpu.memory_space<vmem>>, %arg1: memref<1024x128xf32, #tpu.memory_space<vmem>>, %arg2: memref<1024x128xf32, #tpu.memory_space<vmem>>, %arg3: memref<1024x128xf32, #tpu.memory_space<vmem>>, %arg4: memref<256x32xf32, #tpu.memory_space<vmem>>, %arg5: memref<256x32xf32, #tpu.memory_space<vmem>>, %arg6: memref<1x32xf32, #tpu.memory_space<vmem>>, %arg7: memref<500x32xf32, #tpu.memory_space<vmem>>) attributes {dimension_semantics = [], scalar_prefetch = 0 : i64, scratch_operands = 0 : i64, tpu.core_type = #tpu.core_type<tc>} {
    %get3A = arith.constant 0 : index
    %get3A_0 = arith.constant 0 : index
    %get3A_1 = vector.load %arg0[%get3A, %get3A_0] : memref<500x256xf32, #tpu.memory_space<vmem>>, vector<500x256xf32>
    %get3A_2 = arith.constant 0 : index
    %get3A_3 = arith.constant 0 : index
    %get3A_4 = vector.load %arg1[%get3A_2, %get3A_3] : memref<1024x128xf32, #tpu.memory_space<vmem>>, vector<1024x128xf32>
    %slice3A = vector.extract_strided_slice %get3A_4 {offsets = [0, 0], sizes = [500, 128], strides = [1, 1]} : vector<1024x128xf32> to vector<500x128xf32>
    %get3A_5 = arith.constant 0 : index
    %get3A_6 = arith.constant 0 : index
    %get3A_7 = vector.load %arg1[%get3A_5, %get3A_6] : memref<1024x128xf32, #tpu.memory_space<vmem>>, vector<1024x128xf32>
    %slice3A_8 = vector.extract_strided_slice %get3A_7 {offsets = [512, 0], sizes = [500, 128], strides = [1, 1]} : vector<1024x128xf32> to vector<500x128xf32>
    %add3A = arith.addf %slice3A, %slice3A_8 : vector<500x128xf32>
    %get3A_9 = arith.constant 0 : index
    %get3A_10 = arith.constant 0 : index
    %get3A_11 = vector.load %arg2[%get3A_9, %get3A_10] : memref<1024x128xf32, #tpu.memory_space<vmem>>, vector<1024x128xf32>
    %slice3A_12 = vector.extract_strided_slice %get3A_11 {offsets = [0, 0], sizes = [500, 128], strides = [1, 1]} : vector<1024x128xf32> to vector<500x128xf32>
    %get3A_13 = arith.constant 0 : index
    %get3A_14 = arith.constant 0 : index
    %get3A_15 = vector.load %arg2[%get3A_13, %get3A_14] : memref<1024x128xf32, #tpu.memory_space<vmem>>, vector<1024x128xf32>
    %slice3A_16 = vector.extract_strided_slice %get3A_15 {offsets = [512, 0], sizes = [500, 128], strides = [1, 1]} : vector<1024x128xf32> to vector<500x128xf32>
    %add3A_17 = arith.addf %slice3A_12, %slice3A_16 : vector<500x128xf32>
    %concatenate3A = tpu.concatenate %add3A, %add3A_17 in 1 : vector<500x128xf32>, vector<500x128xf32> -> vector<500x256xf32>
    %get3A_18 = arith.constant 0 : index
    %get3A_19 = arith.constant 0 : index
    %get3A_20 = vector.load %arg3[%get3A_18, %get3A_19] : memref<1024x128xf32, #tpu.memory_space<vmem>>, vector<1024x128xf32>
    %slice3A_21 = vector.extract_strided_slice %get3A_20 {offsets = [0, 0], sizes = [1024, 1], strides = [1, 1]} : vector<1024x128xf32> to vector<1024x1xf32>
    %slice3A_22 = vector.extract_strided_slice %slice3A_21 {offsets = [0, 0], sizes = [500, 1], strides = [1, 1]} : vector<1024x1xf32> to vector<500x1xf32>
    %slice3A_23 = vector.extract_strided_slice %slice3A_21 {offsets = [512, 0], sizes = [500, 1], strides = [1, 1]} : vector<1024x1xf32> to vector<500x1xf32>
    %add3A_24 = arith.addf %slice3A_22, %slice3A_23 : vector<500x1xf32>
    %max3A = arith.constant 1.000000e+00 : f32
    %max3A_25 = vector.broadcast %max3A : f32 to vector<500x1xf32>
    %max3A_26 = arith.maximumf %add3A_24, %max3A_25 : vector<500x1xf32>
    %div3A = vector.broadcast %max3A_26 : vector<500x1xf32> to vector<500x256xf32>
    %div3A_27 = arith.divf %concatenate3A, %div3A : vector<500x256xf32>
    %get3A_28 = arith.constant 0 : index
    %get3A_29 = arith.constant 0 : index
    %get3A_30 = vector.load %arg4[%get3A_28, %get3A_29] : memref<256x32xf32, #tpu.memory_space<vmem>>, vector<256x32xf32>
    %dot_general3A = arith.constant dense<0.000000e+00> : vector<500x32xf32>
    %dot_general3A_31 = tpu.matmul %get3A_1, %get3A_30, %dot_general3A {dimension_numbers = #tpu.dot_dimension_numbers<[1], [0], [0], [1], [0, 0, 1, 1], [], []>, precision = #tpu.contract_precision<fp32>, transpose_lhs_hint = false} : vector<500x256xf32>, vector<256x32xf32>, vector<500x32xf32> -> vector<500x32xf32>
    %get3A_32 = arith.constant 0 : index
    %get3A_33 = arith.constant 0 : index
    %get3A_34 = vector.load %arg5[%get3A_32, %get3A_33] : memref<256x32xf32, #tpu.memory_space<vmem>>, vector<256x32xf32>
    %dot_general3A_35 = arith.constant dense<0.000000e+00> : vector<500x32xf32>
    %dot_general3A_36 = tpu.matmul %div3A_27, %get3A_34, %dot_general3A_35 {dimension_numbers = #tpu.dot_dimension_numbers<[1], [0], [0], [1], [0, 0, 1, 1], [], []>, precision = #tpu.contract_precision<fp32>, transpose_lhs_hint = false} : vector<500x256xf32>, vector<256x32xf32>, vector<500x32xf32> -> vector<500x32xf32>
    %add3A_37 = arith.addf %dot_general3A_31, %dot_general3A_36 : vector<500x32xf32>
    %get3A_38 = arith.constant 0 : index
    %get3A_39 = arith.constant 0 : index
    %get3A_40 = vector.load %arg6[%get3A_38, %get3A_39] : memref<1x32xf32, #tpu.memory_space<vmem>>, vector<1x32xf32>
    %add3A_41 = vector.broadcast %get3A_40 : vector<1x32xf32> to vector<500x32xf32>
    %add3A_42 = arith.addf %add3A_37, %add3A_41 : vector<500x32xf32>
    %mul3A = arith.mulf %get3A_1, %get3A_1 : vector<500x256xf32>
    %reduce_sum3A = arith.constant dense<0.000000e+00> : vector<500xf32>
    %reduce_sum3A_43 = vector.multi_reduction <add>, %mul3A, %reduce_sum3A [1] : vector<500x256xf32> to vector<500xf32>
    %broadcast_in_dim3A = vector.shape_cast %reduce_sum3A_43 : vector<500xf32> to vector<500x1xf32>
    %sqrt3A = math.sqrt %broadcast_in_dim3A : vector<500x1xf32>
    %reduce_sum3A_44 = vector.shape_cast %sqrt3A : vector<500x1xf32> to vector<1x500x1xf32>
    %reduce_sum3A_45 = arith.constant dense<0.000000e+00> : vector<1xf32>
    %reduce_sum3A_46 = vector.multi_reduction <add>, %reduce_sum3A_44, %reduce_sum3A_45 [1, 2] : vector<1x500x1xf32> to vector<1xf32>
    %reduce_sum3A_47 = vector.shape_cast %reduce_sum3A_46 : vector<1xf32> to vector<1x1x1xf32>
    %reduce_sum3A_48 = vector.extract %reduce_sum3A_47[0, 0, 0] : f32 from vector<1x1x1xf32>
    %div3A_49 = arith.constant 5.000000e+02 : f32
    %div3A_50 = arith.divf %reduce_sum3A_48, %div3A_49 : f32
    %mul3A_51 = arith.mulf %add3A_42, %add3A_42 : vector<500x32xf32>
    %reduce_sum3A_52 = arith.constant dense<0.000000e+00> : vector<500xf32>
    %reduce_sum3A_53 = vector.multi_reduction <add>, %mul3A_51, %reduce_sum3A_52 [1] : vector<500x32xf32> to vector<500xf32>
    %broadcast_in_dim3A_54 = vector.shape_cast %reduce_sum3A_53 : vector<500xf32> to vector<500x1xf32>
    %rsqrt3A = math.rsqrt %broadcast_in_dim3A_54 : vector<500x1xf32>
    %mul3A_55 = vector.broadcast %div3A_50 : f32 to vector<500x1xf32>
    %mul3A_56 = arith.mulf %mul3A_55, %rsqrt3A : vector<500x1xf32>
    %mul3A_57 = vector.broadcast %mul3A_56 : vector<500x1xf32> to vector<500x32xf32>
    %mul3A_58 = arith.mulf %add3A_42, %mul3A_57 : vector<500x32xf32>
    %ge3A = arith.constant 0.000000e+00 : f32
    %ge3A_59 = vector.broadcast %ge3A : f32 to vector<500x32xf32>
    %ge3A_60 = arith.cmpf oge, %mul3A_58, %ge3A_59 : vector<500x32xf32>
    %mul3A_61 = arith.constant 0.00999999977 : f32
    %mul3A_62 = vector.broadcast %mul3A_61 : f32 to vector<500x32xf32>
    %mul3A_63 = arith.mulf %mul3A_58, %mul3A_62 : vector<500x32xf32>
    %select_n3A = arith.select %ge3A_60, %mul3A_58, %mul3A_63 : vector<500x32xi1>, vector<500x32xf32>
    %swap3A = arith.constant 0 : index
    %swap3A_64 = arith.constant 0 : index
    %swap3A_65 = vector.load %arg7[%swap3A, %swap3A_64] : memref<500x32xf32, #tpu.memory_space<vmem>>, vector<500x32xf32>
    tpu.vector_store %arg7[%swap3A, %swap3A_64], %select_n3A {strides = array<i32>} : memref<500x32xf32, #tpu.memory_space<vmem>>, vector<500x32xf32>,
    return
  }
}

</mosaic_0001>

<sc_bundles>
// kernel: kernel.6.cloned.1.call-start
scs
__scs_entry_jumppad:
0x0: {  	(pc) =	sbr.rel $0x88, $3  }
0x1: {  	(tag) =	ssettag $0x0;
	lr =	simm.s32 $0x1  }
0x2: {  	[smem:$0x3F94] =	sst lr;
	_ =	strace $0xD0000000  }
0x3: {  	_ = 	snop  }
0x4: {  	_ = 	snop  }
0x5: {  	_ = 	snop  }
0x6: {  	_ = 	snop  }
0x7: {  	_ = 	snop  }
__scs_overlays_trampoline_lowered:
0x8: {  	[smem:$0x3FA3] =	sst s0  }
0x9: {  	[smem:$0x3FA4] =	sst s1  }
0xa: {  	[smem:$0x3FA5] =	sst s2  }
0xb: {  	[smem:$0x3FA6] =	sst s3  }
0xc: {  	[smem:$0x3FA7] =	sst s4  }
0xd: {  	[smem:$0x3FA8] =	sst s5  }
0xe: {  	[smem:$0x3FA9] =	sst s6  }
0xf: {  	[smem:$0x3FAA] =	sst s7  }
0x10: {  	[smem:$0x3FAB] =	sst s8  }
0x11: {  	[smem:$0x3FAC] =	sst s9;
	s0 =	simm.s32 @!p0 $0x0  }
0x12: {  	s1 =	sld [smem:$0x3F92];
	s0 =	simm.s32 @p0 $0x1  }
0x13: {  	[smem:$0x3FAD] =	sst s0;
	s0 =	simm.s32 @!p1 $0x0  }
0x14: {  	s2 =	sld [smem:$0x3F91];
	s0 =	simm.s32 @p1 $0x1  }
0x15: {  	[smem:$0x3FAE] =	sst s0;
	s0 =	simm.s32 @!p2 $0x0  }
0x16: {  	s3 =	sld [smem:$0x3FDB];
	s0 =	simm.s32 @p2 $0x1  }
0x17: {  	s4 =	simm.s32 $0x1BF5;
	[smem:$0x3FB0] =	sst s0  }
0x18: {  	s0 =	sld [smem:$0x3F93];
	_ =	swait.ge [sflag:s4], $0x0  }
0x19: {  	s7 =	sld [smem:$0x3F94]  }
0x1a: {  	s8 =	sadd.s32 $0xFFFFE003, lr  }
0x1b: {  	s9 =	sadd.s32 $0xFFFFFEF7, lr;
	s5 =	simm.s32 $0xFFFFFFFF;
	p2 =	slt.u32 s8, $0xFFFFF086  }
0x1c: {  	p1 =	slt.u32 s9, $0xF7A;
	s5 =	simm.s32 @!p2 $0x0  }
0x1d: {  	s5 =	simm.s32 @p1 $0x1;
	p0 =	seq.s32 s7, s2  }
0x1e: {  	s7 =	smul.u32 @!p0 $0xF7A, s2;
	p2 =	seq.s32 @!p0 s5, $0x0  }
0x1f: {  	s9 =	smul.u32 $0xF7A, s1;
	s8 =	simm.s32 @!p0 $0x1BF5;
	p2 =	por !p2, p0  }
0x20: {  	[sflag:s8] =	ssyncset.s32 @!p0 $0xFFFFF086;
	s6 =	sadd.s32 @!p0 s3, s7;
	s7 =	simm.s32 @!p0 $0x108  }
0x21: {  	s3 =	sadd.s32 s3, s9;
	s6 =	sadd.s32 @!p0 $0x88, s6;
	s7 =	simm.s32 @p2 $0x1082  }
0x22: {  	[simem:s7], [sflag:s8] =	dma.local @!p0 [hbm:s6], $0xF7A  }
0x23: {  	s9 =	sor.u32 $0xD0000000, s2;
	s6 =	simm.s32 $0x108;
	_ =	swait.ge @!p0 [sflag:s8], $0x0  }
0x24: {  	s3 =	sadd.s32 $0x88, s3;
	s6 =	simm.s32 @!p1 $0x1082;
	[sflag:s4] =	ssyncset.s32 $0xFFFFF086  }
0x25: {  	[simem:s6], [sflag:s4] =	dma.local [hbm:s3], $0xF7A  }
0x26: {  	[smem:$0x3F94] =	sst s1;
	(tag) =	ssettag s2;
	_ =	strace s9  }
0x27: {  	s1 =	sld [smem:$0x3FA4]  }
0x28: {  	s2 =	sld [smem:$0x3FA5]  }
0x29: {  	s4 =	sld [smem:$0x3FA7]  }
0x2a: {  	p0 =	seq.s32 s5, $0x0;
	s5 =	sld [smem:$0x3FA8]  }
0x2b: {  	s6 =	sld [smem:$0x3FA9]  }
0x2c: {  	s7 =	sld [smem:$0x3FAA]  }
0x2d: {  	s3 =	simm.s32 $0x108;
	s8 =	sld [smem:$0x3FAB]  }
0x2e: {  	s3 =	simm.s32 @!p0 $0x1082;
	s9 =	sld [smem:$0x3FAC]  }
0x2f: {  	lr =	sadd.s32 s0, s3;
	s0 =	sld [smem:$0x3FA3]  }
0x30: {  	s3 =	sld [smem:$0x3FA6]  }
0x31: {  	[smem:$0x3FAF] =	sst s10  }
0x32: {  	s10 =	sld [smem:$0x3FAD];
	_ =	sdelay $0x3  }
0x33: {  	p0 =	seq.s32 s10, $0x1;
	s10 =	sld [smem:$0x3FAF];
	_ =	sdelay $0x3  }
0x34: {  	[smem:$0x3FAF] =	sst s10  }
0x35: {  	s10 =	sld [smem:$0x3FAE];
	_ =	sdelay $0x3  }
0x36: {  	p1 =	seq.s32 s10, $0x1;
	s10 =	sld [smem:$0x3FAF];
	_ =	sdelay $0x3  }
0x37: {  	[smem:$0x3FAF] =	sst s10  }
0x38: {  	s10 =	sld [smem:$0x3FB0]  }
0x39: {  	_ = 	snop;
	(pc) =	sbr.ind lr, $3  }
0x3a: {  	_ = 	snop  }
0x3b: {  	_ = 	snop  }
0x3c: {  	p2 =	seq.s32 s10, $0x1;
	s10 =	sld [smem:$0x3FAF]  }
0x3d: {  	_ =	shalt  }
0x3e: {  	_ =	shalt  }
0x3f: {  	_ =	shalt  }
0x40: {  	_ =	shalt  }
0x41: {  	_ =	shalt  }
0x42: {  	_ =	shalt  }
0x43: {  	_ =	shalt  }
0x44: {  	_ =	shalt  }
0x45: {  	_ =	shalt  }
0x46: {  	_ =	shalt  }
0x47: {  	_ =	shalt  }
0x48: {  	_ =	shalt  }
0x49: {  	_ =	shalt  }
0x4a: {  	_ =	shalt  }
0x4b: {  	_ =	shalt  }
0x4c: {  	_ =	shalt  }
0x4d: {  	_ =	shalt  }
0x4e: {  	_ =	shalt  }
0x4f: {  	_ =	shalt  }
0x50: {  	_ =	shalt  }
0x51: {  	_ =	shalt  }
0x52: {  	_ =	shalt  }
0x53: {  	_ =	shalt  }
0x54: {  	_ =	shalt  }
0x55: {  	_ =	shalt  }
0x56: {  	_ =	shalt  }
0x57: {  	_ =	shalt  }
0x58: {  	_ =	shalt  }
0x59: {  	_ =	shalt  }
0x5a: {  	_ =	shalt  }
0x5b: {  	_ =	shalt  }
0x5c: {  	_ =	shalt  }
0x5d: {  	_ =	shalt  }
0x5e: {  	_ =	shalt  }
0x5f: {  	_ =	shalt  }
0x60: {  	_ =	shalt  }
0x61: {  	_ =	shalt  }
0x62: {  	_ =	shalt  }
0x63: {  	_ =	shalt  }
0x64: {  	_ =	shalt  }
0x65: {  	_ =	shalt  }
0x66: {  	_ =	shalt  }
0x67: {  	_ =	shalt  }
0x68: {  	_ =	shalt  }
0x69: {  	_ =	shalt  }
0x6a: {  	_ =	shalt  }
0x6b: {  	_ =	shalt  }
0x6c: {  	_ =	shalt  }
0x6d: {  	_ =	shalt  }
0x6e: {  	_ =	shalt  }
0x6f: {  	_ =	shalt  }
0x70: {  	_ =	shalt  }
0x71: {  	_ =	shalt  }
0x72: {  	_ =	shalt  }
0x73: {  	_ =	shalt  }
0x74: {  	_ =	shalt  }
0x75: {  	_ =	shalt  }
0x76: {  	_ =	shalt  }
0x77: {  	_ =	shalt  }
0x78: {  	_ =	shalt  }
0x79: {  	_ =	shalt  }
0x7a: {  	_ =	shalt  }
0x7b: {  	_ =	shalt  }
0x7c: {  	_ =	shalt  }
0x7d: {  	_ =	shalt  }
0x7e: {  	_ =	shalt  }
0x7f: {  	_ =	shalt  }
0x80: {  	_ =	shalt  }
0x81: {  	_ =	shalt  }
0x82: {  	_ =	shalt  }
0x83: {  	_ =	shalt  }
0x84: {  	_ =	shalt  }
0x85: {  	_ =	shalt  }
0x86: {  	_ =	shalt  }
0x87: {  	_ =	shalt  }
.Lfunc_end0:
.L_simem_size_0:
called_computation_lowered:
.L_overlay_start_0:
0x88: {  	s2 =	sld [smem:$0x3FD9]  }
0x89: {  	s3 =	sld [smem:$0x3FFE];
	_ =	sdelay $0x1  }
0x8a: {  	s1 =	srdreg.scid  }
0x8b: {  	s0 =	sand.u32 $0x1, s1  }
0x8c: {  	s17 =	sshll.u32 s0, $0xA;
	s2 =	sadd.s32 s3, s2  }
0x8d: {  	s2 =	sadd.s32 s2, s17  }
0x8e: {  	[smem:$0x3FBB] =	sst s2  }
0x8f: {  	_ = 	snop  }
0x90: {  	s2 =	sld [smem:$0x3FC9]  }
0x91: {  	s18 =	sld [smem:$0x3FD0];
	(tm) =	ssettm $0x1  }
0x92: {  	s4 =	sld [smem:$0x3FFB];
	_ =	sdelay $0x3  }
0x93: {  	_ =	strace s4  }
0x94: {  	s4 =	sld [smem:$0x3FFC];
	_ =	sdelay $0x3  }
0x95: {  	_ =	strace s4  }
0x96: {  	s4 =	sld [smem:$0x3FFD];
	_ =	sdelay $0x3  }
0x97: {  	_ =	strace s4  }
0x98: {  	_ =	strace $0x8FFFFFFF  }
0x99: {  	s19 =	sld [smem:$0x3FDB];
	_ =	sdelay $0x1  }
0x9a: {  	s5 =	simm.s32 $_scs_section_size  }
0x9b: {  	s6 =	simm.s32 $_size__tile_overlayer_lowered;
	s7 =	simm.s32 $_tile_overlayer_lowered  }
0x9c: {  	s22 =	simm.s32 $0x1BFF;
	s21 =	sshll.u32 s7, $0x1;
	s4 =	sadd.s32 s5, s19  }
0x9d: {  	s8 =	simm.s32 $0x0;
	s20 =	sshll.u32 s6, $0x1;
	s6 =	sadd.s32 s21, s4  }
0x9e: {  	[timem:s8], [sflag:s22] =	dma.local [hbm:s6], s20  }
0x9f: {  	_ =	swait.ge [sflag:s22], s20  }
0xa0: {  	s5 =	ssub.s32 $0x0, s20;
	[sflag:s22] =	ssyncset.done $0x0  }
0xa1: {  	[sflag:s22] =	ssyncadd.s32 s5;
	_ =	sdelay $0x1  }
0xa2: {  	s23 =	simm.s32 $0x1B8B  }
0xa3: {  	_ =	swait.ge [sflag:s23], $0x1  }
0xa4: {  	[sflag:s23] =	ssyncset.done $0x0  }
0xa5: {  	s25 =	simm.s32 $0x1B8E;
	s24 =	sld [smem:$0x3FFE];
	[sflag:s23] =	ssyncadd.s32 $0xFFFFFFFF  }
0xa6: {  	s26 =	simm.s32 $execute0_lowered;
	[smem:$0x3FD2] =	sst s25  }
0xa7: {  	s6 =	sshll.u32 s26, $0x1;
	_ =	strace $0x80000046;
	[dreg:$0x1] =	wrdreg $0xFFFFFFFF  }
0xa8: {  	s28 =	simm.s32 $_size_execute0_lowered;
	s4 =	sadd.s32 s4, s6;
	[dreg:$0x0] =	wrdreg $0x0  }
0xa9: {  	s6 =	sshll.u32 s28, $0x1;
	[dreg:$0x2] =	wrdreg s4  }
0xaa: {  	[dreg:$0x3] =	wrdreg s6  }
0xab: {  	[dreg:$0x4] =	wrdreg $0xC0  }
0xac: {  	_ =	task [dreg:s8], $0x5FFFF  }
0xad: {  	[dreg:$0x1] =	wrdreg $0xFFFFFFFF  }
0xae: {  	[dreg:$0x0] =	wrdreg $0x60  }
0xaf: {  	[dreg:$0x2] =	wrdreg s24  }
0xb0: {  	[dreg:$0x3] =	wrdreg s2  }
0xb1: {  	[dreg:$0x4] =	wrdreg s18  }
0xb2: {  	[dreg:$0x5] =	wrdreg $0x13C000  }
0xb3: {  	[dreg:$0x6] =	wrdreg $0x17C000  }
0xb4: {  	[dreg:$0x7] =	wrdreg $0x9  }
0xb5: {  	_ =	task.clear_ibuf [dreg:s8], $0x8FFFF;
	_ =	strace $0x90000046  }
0xb6: {  	s29 =	simm.s32 $0x9;
	_ =	strace $0x80000048  }
0xb7: {  	_ =	swait.ge [sflag:s29], $0x1  }
0xb8: {  	[sflag:s29] =	ssyncadd.s32 $0xFFFFFFFF  }
0xb9: {  	_ =	strace $0x90000048  }
0xba: {  	_ =	sfence  }
0xbb: {  	s30 =	sld [smem:$0x0];
	_ =	sdelay $0x2  }
0xbc: {  	s31 =	sshll.u32 s1, $0xD;
	s1 =	sshrl.u32 s1, $0x2  }
0xbd: {  	s3 =	sand.u32 $0x4000, s31;
	s1 =	sadd.s32 s1, s30  }
0xbe: {  	s0 =	sor.u32 s3, s0;
	s1 =	sshll.u32 s1, $0x11  }
0xbf: {  	s0 =	sor.u32 s1, s0  }
0xc0: {  	s0 =	sadd.s32 $0x8F2B, s0  }
0xc1: {  	[sflag:s0] =	ssyncadd.remote.s32 $0x1  }
0xc2: {  	_ =	sfence.sel $0xFFFF  }
0xc3: {  	[dreg:$0x0] =	wrdreg $0xFFFFFFFF;
	(pc) =	sbr.abs _section_cstart, $3  }
0xc4: {  	[dreg:$0x1] =	wrdreg $0xFFFFFFFF  }
0xc5: {  	_ =	task.clear_ibuf [dreg:s8], $0x2FFFF;
	_ =	strace $0x9FFFFFFF  }
0xc6: {  	(tm) =	ssettm $0x7FFFFFFF  }
0xc7: {  	_ =	shalt  }
tec
execute0_lowered:
.L_overlay_start_1:
0x0: {  	(tag) =	ssettag $0x1  }
0x1: {  	s0 =	rddreg [dreg:$0x0]  }
0x2: {  	s1 =	rddreg [dreg:$0x1]  }
0x3: {  	s3 =	rddreg [dreg:$0x3]  }
0x4: {  	s5 =	rddreg [dreg:$0x4];
	s2 =	srdreg.scid  }
0x5: {  	s6 =	simm.s32 $0x0;
	s14 =	stileid.u32;
	s13 =	simm.s32 $0x7  }
0x6: {  	s15 =	simm.s32 $0x12800;
	s19 =	simm.s32 $0x28;
	s20 =	simm.s32 $0x10000  }
0x7: {  	s21 =	simm.s32 $0x1;
	s28 =	simm.s32 $0x8080;
	s29 =	simm.s32 $0x4  }
0x8: {  	s30 =	simm.s32 $0x5;
	s31 =	simm.s32 $0x6;
	s2 =	sand.u32 $0x1, s2  }
0x9: {  	[smem:$0x7FF] =	sst s6;
	s4 =	sshll.u32 s14, $0xD;
	s10 =	sshll.u32 s14, $0xE  }
0xa: {  	s8 =	sshll.u32 s14, $0xB;
	s26 =	sshll.u32 s14, $0x6;
	s14 =	simm.s32 $0x8000  }
0xb: {  	s7 =	sshll.u32 s2, $0xC;
	_ =	strace $0x80000047;
	s22 =	sshll.u32 s2, $0x12  }
0xc: {  	s2 =	ssub.s32 $0x2, s2;
	s9 =	sadd.s32 s8, s0;
	s25 =	sadd.s32 s10, s3  }
0xd: {  	s18 =	sadd.s32 s10, s5;
	s16 =	sor.u32 $0x1C07, s26;
	s4 =	sor.u32 s7, s4  }
0xe: {  	s7 =	sor.u32 s10, s22;
	s23 =	sshrl.u32 s2, $0x1;
	s9 =	sadd.s32 $0x42E00, s9  }
0xf: {  	s17 =	sshrl.u32 s25, $0x3;
	s18 =	sshrl.u32 s18, $0x3;
	s25 =	simm.s32 $0x3  }
0x10: {  	s22 =	simm.s32 $0x0;
	s4 =	sadd.s32 s4, s0;
	s7 =	sshrl.u32 s7, $0x3  }
0x11: {  	s2 =	ssub.s32 s2, s23;
	s23 =	simm.s32 $0x11400;
	s0 =	sadd.s32 s7, s0  }
0x12: {  	s24 =	sadd.s32 $0x2E00, s4;
	s8 =	sadd.s32 $0x22E00, s4;
	s12 =	smax.u32 s2, $0x1  }
0x13: {  	s4 =	simm.s32 $0xFC00;
	s2 =	simm.s32 $0xFC80;
	[dreg:$0x6] =	wrdreg s24  }
0x14: {  	s10 =	sadd.s32 $0x4AE00, s0;
	s11 =	sadd.s32 $0x5AE00, s0;
	s24 =	simm.s32 $0x2  }
.LBB2_1:
0x15: {  	s0 =	rddreg [dreg:$0x6]  }
0x16: {  	[tilespmem:s6], [sflag:$0x7] =	stream.linear.gather [hbm4b:s0+s6], $0x7D00, $0x38;
	[tilespmem:$0x1BC00] =	vst v63  }
0x17: {  	_ =	swait.ge [sflag:s13], $0x7D00  }
0x18: {  	[sflag:s13] =	ssyncset.done $0x0  }
0x19: {  	[sflag:s13] =	ssyncadd.s32 $0xFFFF8300  }
0x1a: {  	[tilespmem:s14], [sflag:$0x7] =	stream.linear.gather [hbm4b:s8+s6], $0x7D00, $0x38;
	[tilespmem:$0x1BC00] =	vst v63  }
0x1b: {  	_ =	swait.ge [sflag:s13], $0x7D00  }
0x1c: {  	[sflag:s13] =	ssyncset.done $0x0  }
0x1d: {  	[sflag:s13] =	ssyncadd.s32 $0xFFFF8300  }
0x1e: {  	s7 =	rddreg [dreg:$0x2]  }
0x1f: {  	[tilespmem:s15], [sflag:$0x7] =	stream.linear.gather [hbm4b:s7+s6], $0x1400, $0x38;
	[tilespmem:$0x1BC00] =	vst v63  }
0x20: {  	_ =	swait.ge [sflag:s13], $0x1400  }
0x21: {  	[sflag:s13] =	ssyncset.done $0x0  }
0x22: {  	[sflag:s13] =	ssyncadd.s32 $0xFFFFEC00  }
0x23: {  	[spmem:s17], [sflag:s16] =	dma.local [hbm:s9], $0x800  }
0x24: {  	_ =	swait.ge [sflag:s13], $0x800  }
0x25: {  	[sflag:s13] =	ssyncset.done $0x0  }
0x26: {  	[sflag:s13] =	ssyncadd.s32 $0xFFFFF800  }
0x27: {  	[spmem:s18], [sflag:s16] =	dma.local [hbm:s9], $0x800  }
0x28: {  	_ =	swait.ge [sflag:s13], $0x800  }
0x29: {  	[sflag:s13] =	ssyncset.done $0x0  }
0x2a: {  	[sflag:s13] =	ssyncadd.s32 $0xFFFFF800  }
0x2b: {  	[bflag:$0x0] =	sbarrier.arrive $0xFFFF  }
0x2c: {  	[tilespmem:s20], [sflag:$0x1] =	stream.indirect.gather [hbm4b:s1+s19], $0x80, s6, s19, $0xb8;
	[tilespmem:$0x1BC00] =	vst v63  }
0x2d: {  	_ =	swait.ge [sflag:s21], $0x1400  }
0x2e: {  	[sflag:s21] =	ssyncset.done $0x0  }
0x2f: {  	s26 =	simm.s32 $0x80;
	[sflag:s21] =	ssyncadd.s32 $0xFFFFEC00  }
0x30: {  	[tilespmem:s23], [sflag:$0x2] =	stream.indirect.gather [hbm4b:s1+s19], $0x80, s26, s19, $0xb8;
	[tilespmem:$0x1BC00] =	vst v63  }
0x31: {  	_ = 	snop  }
0x32: {  	[spmem:s3] =	stream.indirect.scatter.add.f32 [tilespmem:s20], [sflag:$0x3], $0x80, s14, s19, $0xb8;
	[tilespmem:$0x1BC00] =	vst v63  }
0x33: {  	_ = 	snop  }
0x34: {  	[spmem:s5] =	stream.indirect.scatter.add.f32 [tilespmem:s15], [sflag:$0x5], $0x80, s14, s19, $0xb8;
	[tilespmem:$0x1BC00] =	vst v63  }
0x35: {  	_ =	swait.ge [sflag:s24], $0x1400  }
0x36: {  	[sflag:s24] =	ssyncset.done $0x0  }
0x37: {  	[sflag:s24] =	ssyncadd.s32 $0xFFFFEC00  }
0x38: {  	_ =	swait.ge [sflag:s25], $0x1400  }
0x39: {  	[sflag:s25] =	ssyncset.done $0x0  }
0x3a: {  	s7 =	simm.s32 $0x100;
	[sflag:s25] =	ssyncadd.s32 $0xFFFFEC00  }
0x3b: {  	[tilespmem:s20], [sflag:$0x1] =	stream.indirect.gather [hbm4b:s1+s19], $0x80, s7, s19, $0xb8;
	[tilespmem:$0x1BC00] =	vst v63  }
0x3c: {  	_ = 	snop  }
0x3d: {  	[spmem:s3] =	stream.indirect.scatter.add.f32 [tilespmem:s23], [sflag:$0x4], $0x80, s28, s19, $0xb8;
	[tilespmem:$0x1BC00] =	vst v63  }
0x3e: {  	_ = 	snop  }
0x3f: {  	[spmem:s5] =	stream.indirect.scatter.add.f32 [tilespmem:s15], [sflag:$0x6], $0x80, s28, s19, $0xb8;
	[tilespmem:$0x1BC00] =	vst v63  }
0x40: {  	_ =	swait.ge [sflag:s21], $0x1400  }
0x41: {  	[sflag:s21] =	ssyncset.done $0x0  }
0x42: {  	[sflag:s21] =	ssyncadd.s32 $0xFFFFEC00  }
0x43: {  	_ =	swait.ge [sflag:s29], $0x1400  }
0x44: {  	[sflag:s29] =	ssyncset.done $0x0  }
0x45: {  	s26 =	simm.s32 $0x180;
	[sflag:s29] =	ssyncadd.s32 $0xFFFFEC00  }
0x46: {  	[tilespmem:s23], [sflag:$0x2] =	stream.indirect.gather [hbm4b:s1+s19], $0x80, s26, s19, $0xb8;
	[tilespmem:$0x1BC00] =	vst v63  }
0x47: {  	s7 =	simm.s32 $0x8100  }
0x48: {  	[spmem:s3] =	stream.indirect.scatter.add.f32 [tilespmem:s20], [sflag:$0x3], $0x80, s7, s19, $0xb8;
	[tilespmem:$0x1BC00] =	vst v63  }
0x49: {  	_ =	swait.ge [sflag:s30], $0x1400  }
0x4a: {  	[sflag:s30] =	ssyncset.done $0x0  }
0x4b: {  	[sflag:s30] =	ssyncadd.s32 $0xFFFFEC00  }
0x4c: {  	[spmem:s5] =	stream.indirect.scatter.add.f32 [tilespmem:s15], [sflag:$0x5], $0x80, s7, s19, $0xb8;
	[tilespmem:$0x1BC00] =	vst v63  }
0x4d: {  	_ =	swait.ge [sflag:s24], $0x1400  }
0x4e: {  	[sflag:s24] =	ssyncset.done $0x0  }
0x4f: {  	[sflag:s24] =	ssyncadd.s32 $0xFFFFEC00  }
0x50: {  	_ =	swait.ge [sflag:s25], $0x1400  }
0x51: {  	[sflag:s25] =	ssyncset.done $0x0  }
0x52: {  	s26 =	simm.s32 $0x200;
	[sflag:s25] =	ssyncadd.s32 $0xFFFFEC00  }
0x53: {  	[tilespmem:s20], [sflag:$0x1] =	stream.indirect.gather [hbm4b:s1+s19], $0x80, s26, s19, $0xb8;
	[tilespmem:$0x1BC00] =	vst v63  }
0x54: {  	s0 =	simm.s32 $0x8180  }
0x55: {  	[spmem:s3] =	stream.indirect.scatter.add.f32 [tilespmem:s23], [sflag:$0x4], $0x80, s0, s19, $0xb8;
	[tilespmem:$0x1BC00] =	vst v63  }
0x56: {  	_ =	swait.ge [sflag:s31], $0x1400  }
0x57: {  	[sflag:s31] =	ssyncset.done $0x0  }
0x58: {  	s26 =	simm.s32 $0xFFFE1800;
	[sflag:s31] =	ssyncadd.s32 $0xFFFFEC00  }
.LBB2_2:
0x59: {  	[spmem:s5] =	stream.indirect.scatter.add.f32 [tilespmem:s15], [sflag:$0x6], $0x80, s0, s19, $0xb8;
	[tilespmem:$0x1BC00] =	vst v63  }
0x5a: {  	s0 =	smov.u32 s26  }
0x5b: {  	p0 =	sne.s32 s26, $0xFFFFFC00;
	s26 =	sadd.s32 $0x400, s26;
	_ =	swait.ge [sflag:s21], $0x1400  }
0x5c: {  	[sflag:s21] =	ssyncset.done $0x0  }
0x5d: {  	[sflag:s21] =	ssyncadd.s32 $0xFFFFEC00  }
0x5e: {  	_ =	swait.ge [sflag:s29], $0x1400  }
0x5f: {  	s0 =	sshra.s32 s0, $0x2;
	[sflag:s29] =	ssyncset.done $0x0  }
0x60: {  	s7 =	sadd.s32 $0x7C80, s0;
	[sflag:s29] =	ssyncadd.s32 $0xFFFFEC00  }
0x61: {  	[tilespmem:s23], [sflag:$0x2] =	stream.indirect.gather [hbm4b:s1+s19], $0x80, s7, s19, $0xb8;
	[tilespmem:$0x1BC00] =	vst v63  }
0x62: {  	s7 =	sadd.s32 $0xFC00, s0  }
0x63: {  	[spmem:s3] =	stream.indirect.scatter.add.f32 [tilespmem:s20], [sflag:$0x3], $0x80, s7, s19, $0xb8;
	[tilespmem:$0x1BC00] =	vst v63  }
0x64: {  	_ =	swait.ge [sflag:s30], $0x1400  }
0x65: {  	[sflag:s30] =	ssyncset.done $0x0  }
0x66: {  	[sflag:s30] =	ssyncadd.s32 $0xFFFFEC00  }
0x67: {  	[spmem:s5] =	stream.indirect.scatter.add.f32 [tilespmem:s15], [sflag:$0x5], $0x80, s7, s19, $0xb8;
	[tilespmem:$0x1BC00] =	vst v63  }
0x68: {  	_ =	swait.ge [sflag:s24], $0x1400  }
0x69: {  	[sflag:s24] =	ssyncset.done $0x0  }
0x6a: {  	[sflag:s24] =	ssyncadd.s32 $0xFFFFEC00  }
0x6b: {  	_ =	swait.ge [sflag:s25], $0x1400  }
0x6c: {  	[sflag:s25] =	ssyncset.done $0x0  }
0x6d: {  	s7 =	sadd.s32 $0x7D00, s0;
	[sflag:s25] =	ssyncadd.s32 $0xFFFFEC00  }
0x6e: {  	[tilespmem:s20], [sflag:$0x1] =	stream.indirect.gather [hbm4b:s1+s19], $0x80, s7, s19, $0xb8;
	[tilespmem:$0x1BC00] =	vst v63  }
.Ltmp0:
0x6f: {  	s0 =	sadd.s32 $0xFC80, s0;
	(pc) =	sbr.rel @p0 .LBB2_2-.Ltmp0, $4  }
0x70: {  	[spmem:s3] =	stream.indirect.scatter.add.f32 [tilespmem:s23], [sflag:$0x4], $0x80, s0, s19, $0xb8;
	[tilespmem:$0x1BC00] =	vst v63  }
0x71: {  	_ =	swait.ge [sflag:s31], $0x1400  }
0x72: {  	[sflag:s31] =	ssyncset.done $0x0  }
0x73: {  	[sflag:s31] =	ssyncadd.s32 $0xFFFFEC00  }
0x74: {  	[spmem:s5] =	stream.indirect.scatter.add.f32 [tilespmem:s15], [sflag:$0x6], $0x80, s0, s19, $0xb8;
	[tilespmem:$0x1BC00] =	vst v63  }
0x75: {  	_ =	swait.ge [sflag:s21], $0x1400  }
0x76: {  	[sflag:s21] =	ssyncset.done $0x0  }
0x77: {  	[sflag:s21] =	ssyncadd.s32 $0xFFFFEC00  }
0x78: {  	_ =	swait.ge [sflag:s29], $0x1400  }
0x79: {  	[sflag:s29] =	ssyncset.done $0x0  }
0x7a: {  	s26 =	simm.s32 $0x7C80;
	[sflag:s29] =	ssyncadd.s32 $0xFFFFEC00  }
0x7b: {  	[tilespmem:s23], [sflag:$0x2] =	stream.indirect.gather [hbm4b:s1+s19], $0x80, s26, s19, $0xb8;
	[tilespmem:$0x1BC00] =	vst v63  }
0x7c: {  	_ = 	snop  }
0x7d: {  	[spmem:s3] =	stream.indirect.scatter.add.f32 [tilespmem:s20], [sflag:$0x3], $0x80, s4, s19, $0xb8;
	[tilespmem:$0x1BC00] =	vst v63  }
0x7e: {  	_ =	swait.ge [sflag:s30], $0x1400  }
0x7f: {  	[sflag:s30] =	ssyncset.done $0x0  }
0x80: {  	[sflag:s30] =	ssyncadd.s32 $0xFFFFEC00  }
0x81: {  	[spmem:s5] =	stream.indirect.scatter.add.f32 [tilespmem:s15], [sflag:$0x5], $0x80, s4, s19, $0xb8;
	[tilespmem:$0x1BC00] =	vst v63  }
0x82: {  	_ =	swait.ge [sflag:s24], $0x1400  }
0x83: {  	[sflag:s24] =	ssyncset.done $0x0  }
0x84: {  	[sflag:s24] =	ssyncadd.s32 $0xFFFFEC00  }
0x85: {  	_ =	swait.ge [sflag:s25], $0x1400  }
0x86: {  	[sflag:s25] =	ssyncset.done $0x0  }
0x87: {  	[sflag:s25] =	ssyncadd.s32 $0xFFFFEC00  }
0x88: {  	[spmem:s3] =	stream.indirect.scatter.add.f32 [tilespmem:s23], [sflag:$0x4], $0x80, s2, s19, $0xb8;
	[tilespmem:$0x1BC00] =	vst v63  }
0x89: {  	_ =	swait.ge [sflag:s31], $0x1400  }
0x8a: {  	[sflag:s31] =	ssyncset.done $0x0  }
0x8b: {  	[sflag:s31] =	ssyncadd.s32 $0xFFFFEC00  }
0x8c: {  	[spmem:s5] =	stream.indirect.scatter.add.f32 [tilespmem:s15], [sflag:$0x6], $0x80, s2, s19, $0xb8;
	[tilespmem:$0x1BC00] =	vst v63  }
0x8d: {  	_ =	swait.ge [sflag:s29], $0x1400  }
0x8e: {  	[sflag:s29] =	ssyncset.done $0x0  }
0x8f: {  	[sflag:s29] =	ssyncadd.s32 $0xFFFFEC00  }
0x90: {  	_ =	swait.ge [sflag:s30], $0x1400  }
0x91: {  	[sflag:s30] =	ssyncset.done $0x0  }
0x92: {  	[sflag:s30] =	ssyncadd.s32 $0xFFFFEC00  }
0x93: {  	_ =	swait.ge [sflag:s31], $0x1400  }
0x94: {  	[sflag:s31] =	ssyncset.done $0x0  }
0x95: {  	[sflag:s31] =	ssyncadd.s32 $0xFFFFEC00  }
0x96: {  	[bflag:$0x0] =	sbarrier.arrive $0xFFFF  }
0x97: {  	[hbm:s10], [sflag:s16] =	dma.local [spmem:s17], $0x800  }
0x98: {  	s22 =	sadd.s32 $0x1, s22;
	_ =	swait.ge [sflag:s13], $0x800  }
0x99: {  	p0 =	sne.s32 s22, s12;
	[sflag:s13] =	ssyncset.done $0x0  }
.Ltmp1:
0x9a: {  	[sflag:s13] =	ssyncadd.s32 $0xFFFFF800;
	(pc) =	sbr.rel @p0 .LBB2_1-.Ltmp1, $4  }
0x9b: {  	[hbm:s11], [sflag:s16] =	dma.local [spmem:s18], $0x800  }
0x9c: {  	_ =	swait.ge [sflag:s13], $0x800  }
0x9d: {  	[sflag:s13] =	ssyncset.done $0x0  }
0x9e: {  	[sflag:s13] =	ssyncadd.s32 $0xFFFFF800  }
0x9f: {  	_ =	sfence.sel $0x180000  }
0xa0: {  	[bflag:$0x0] =	sbarrier.arrive $0xFFFF  }
0xa1: {  	_ =	strace $0x90000047  }
0xa2: {  	s0 =	stileid.u32;
	[bflag:$0x2] =	sbarrier.arrive $0xFFFF  }
0xa3: {  	p0 =	sne.s32 s0, $0x0;
	s0 =	rddreg [dreg:$0x5]  }
0xa4: {  	s0 =	sadd.s32 @!p0 $0x100000, s0  }
0xa5: {  	[sflag:s0] =	ssyncadd.tile.s32 @!p0 $0x1;
	_ =	shalt  }
.Lfunc_end2:
_tile_overlayer_lowered:
.L_overlay_start_2:
0xa6: {  	(tag) =	ssettag $0x2  }
0xa7: {  	s0 =	rddreg [dreg:$0x0];
	s2 =	stileid.u32  }
0xa8: {  	s1 =	rddreg [dreg:$0x1];
	p0 =	sne.s32 s2, $0x0  }
0xa9: {  	s3 =	rddreg [dreg:$0x2];
	[bflag:$0x3] =	sbarrier.arrive $0xFFFF;
	s2 =	simm.s32 @!p0 $0x1C07  }
0xaa: {  	[timem:s3], [sflag:s2] =	dma.local @!p0 [hbm:s0], s1  }
0xab: {  	s0 =	simm.s32 @!p0 $0x7  }
0xac: {  	_ =	swait.ge @!p0 [sflag:s0], s1  }
0xad: {  	s1 =	ssub.s32 @!p0 $0x0, s1;
	[sflag:s0] =	ssyncset.done @!p0 $0x0  }
0xae: {  	[sflag:s0] =	ssyncadd.s32 @!p0 s1  }
0xaf: {  	[bflag:$0x3] =	sbarrier.arrive $0xFFFF  }
0xb0: {  	_ =	shalt  }

// kernel: kernel.9.cloned.1.call-start
scs
__scs_entry_jumppad:
0x0: {  	(pc) =	sbr.rel $0x88, $3  }
0x1: {  	(tag) =	ssettag $0x0;
	lr =	simm.s32 $0x1  }
0x2: {  	[smem:$0x3F94] =	sst lr;
	_ =	strace $0xD0000000  }
0x3: {  	_ = 	snop  }
0x4: {  	_ = 	snop  }
0x5: {  	_ = 	snop  }
0x6: {  	_ = 	snop  }
0x7: {  	_ = 	snop  }
__scs_overlays_trampoline_lowered:
0x8: {  	[smem:$0x3FA3] =	sst s0  }
0x9: {  	[smem:$0x3FA4] =	sst s1  }
0xa: {  	[smem:$0x3FA5] =	sst s2  }
0xb: {  	[smem:$0x3FA6] =	sst s3  }
0xc: {  	[smem:$0x3FA7] =	sst s4  }
0xd: {  	[smem:$0x3FA8] =	sst s5  }
0xe: {  	[smem:$0x3FA9] =	sst s6  }
0xf: {  	[smem:$0x3FAA] =	sst s7  }
0x10: {  	[smem:$0x3FAB] =	sst s8  }
0x11: {  	[smem:$0x3FAC] =	sst s9;
	s0 =	simm.s32 @!p0 $0x0  }
0x12: {  	s1 =	sld [smem:$0x3F92];
	s0 =	simm.s32 @p0 $0x1  }
0x13: {  	[smem:$0x3FAD] =	sst s0;
	s0 =	simm.s32 @!p1 $0x0  }
0x14: {  	s2 =	sld [smem:$0x3F91];
	s0 =	simm.s32 @p1 $0x1  }
0x15: {  	[smem:$0x3FAE] =	sst s0;
	s0 =	simm.s32 @!p2 $0x0  }
0x16: {  	s3 =	sld [smem:$0x3FDB];
	s0 =	simm.s32 @p2 $0x1  }
0x17: {  	s4 =	simm.s32 $0x1BF5;
	[smem:$0x3FB0] =	sst s0  }
0x18: {  	s0 =	sld [smem:$0x3F93];
	_ =	swait.ge [sflag:s4], $0x0  }
0x19: {  	s7 =	sld [smem:$0x3F94]  }
0x1a: {  	s8 =	sadd.s32 $0xFFFFE003, lr  }
0x1b: {  	s9 =	sadd.s32 $0xFFFFFEF7, lr;
	s5 =	simm.s32 $0xFFFFFFFF;
	p2 =	slt.u32 s8, $0xFFFFF086  }
0x1c: {  	p1 =	slt.u32 s9, $0xF7A;
	s5 =	simm.s32 @!p2 $0x0  }
0x1d: {  	s5 =	simm.s32 @p1 $0x1;
	p0 =	seq.s32 s7, s2  }
0x1e: {  	s7 =	smul.u32 @!p0 $0xF7A, s2;
	p2 =	seq.s32 @!p0 s5, $0x0  }
0x1f: {  	s9 =	smul.u32 $0xF7A, s1;
	s8 =	simm.s32 @!p0 $0x1BF5;
	p2 =	por !p2, p0  }
0x20: {  	[sflag:s8] =	ssyncset.s32 @!p0 $0xFFFFF086;
	s6 =	sadd.s32 @!p0 s3, s7;
	s7 =	simm.s32 @!p0 $0x108  }
0x21: {  	s3 =	sadd.s32 s3, s9;
	s6 =	sadd.s32 @!p0 $0x88, s6;
	s7 =	simm.s32 @p2 $0x1082  }
0x22: {  	[simem:s7], [sflag:s8] =	dma.local @!p0 [hbm:s6], $0xF7A  }
0x23: {  	s9 =	sor.u32 $0xD0000000, s2;
	s6 =	simm.s32 $0x108;
	_ =	swait.ge @!p0 [sflag:s8], $0x0  }
0x24: {  	s3 =	sadd.s32 $0x88, s3;
	s6 =	simm.s32 @!p1 $0x1082;
	[sflag:s4] =	ssyncset.s32 $0xFFFFF086  }
0x25: {  	[simem:s6], [sflag:s4] =	dma.local [hbm:s3], $0xF7A  }
0x26: {  	[smem:$0x3F94] =	sst s1;
	(tag) =	ssettag s2;
	_ =	strace s9  }
0x27: {  	s1 =	sld [smem:$0x3FA4]  }
0x28: {  	s2 =	sld [smem:$0x3FA5]  }
0x29: {  	s4 =	sld [smem:$0x3FA7]  }
0x2a: {  	p0 =	seq.s32 s5, $0x0;
	s5 =	sld [smem:$0x3FA8]  }
0x2b: {  	s6 =	sld [smem:$0x3FA9]  }
0x2c: {  	s7 =	sld [smem:$0x3FAA]  }
0x2d: {  	s3 =	simm.s32 $0x108;
	s8 =	sld [smem:$0x3FAB]  }
0x2e: {  	s3 =	simm.s32 @!p0 $0x1082;
	s9 =	sld [smem:$0x3FAC]  }
0x2f: {  	lr =	sadd.s32 s0, s3;
	s0 =	sld [smem:$0x3FA3]  }
0x30: {  	s3 =	sld [smem:$0x3FA6]  }
0x31: {  	[smem:$0x3FAF] =	sst s10  }
0x32: {  	s10 =	sld [smem:$0x3FAD];
	_ =	sdelay $0x3  }
0x33: {  	p0 =	seq.s32 s10, $0x1;
	s10 =	sld [smem:$0x3FAF];
	_ =	sdelay $0x3  }
0x34: {  	[smem:$0x3FAF] =	sst s10  }
0x35: {  	s10 =	sld [smem:$0x3FAE];
	_ =	sdelay $0x3  }
0x36: {  	p1 =	seq.s32 s10, $0x1;
	s10 =	sld [smem:$0x3FAF];
	_ =	sdelay $0x3  }
0x37: {  	[smem:$0x3FAF] =	sst s10  }
0x38: {  	s10 =	sld [smem:$0x3FB0]  }
0x39: {  	_ = 	snop;
	(pc) =	sbr.ind lr, $3  }
0x3a: {  	_ = 	snop  }
0x3b: {  	_ = 	snop  }
0x3c: {  	p2 =	seq.s32 s10, $0x1;
	s10 =	sld [smem:$0x3FAF]  }
0x3d: {  	_ =	shalt  }
0x3e: {  	_ =	shalt  }
0x3f: {  	_ =	shalt  }
0x40: {  	_ =	shalt  }
0x41: {  	_ =	shalt  }
0x42: {  	_ =	shalt  }
0x43: {  	_ =	shalt  }
0x44: {  	_ =	shalt  }
0x45: {  	_ =	shalt  }
0x46: {  	_ =	shalt  }
0x47: {  	_ =	shalt  }
0x48: {  	_ =	shalt  }
0x49: {  	_ =	shalt  }
0x4a: {  	_ =	shalt  }
0x4b: {  	_ =	shalt  }
0x4c: {  	_ =	shalt  }
0x4d: {  	_ =	shalt  }
0x4e: {  	_ =	shalt  }
0x4f: {  	_ =	shalt  }
0x50: {  	_ =	shalt  }
0x51: {  	_ =	shalt  }
0x52: {  	_ =	shalt  }
0x53: {  	_ =	shalt  }
0x54: {  	_ =	shalt  }
0x55: {  	_ =	shalt  }
0x56: {  	_ =	shalt  }
0x57: {  	_ =	shalt  }
0x58: {  	_ =	shalt  }
0x59: {  	_ =	shalt  }
0x5a: {  	_ =	shalt  }
0x5b: {  	_ =	shalt  }
0x5c: {  	_ =	shalt  }
0x5d: {  	_ =	shalt  }
0x5e: {  	_ =	shalt  }
0x5f: {  	_ =	shalt  }
0x60: {  	_ =	shalt  }
0x61: {  	_ =	shalt  }
0x62: {  	_ =	shalt  }
0x63: {  	_ =	shalt  }
0x64: {  	_ =	shalt  }
0x65: {  	_ =	shalt  }
0x66: {  	_ =	shalt  }
0x67: {  	_ =	shalt  }
0x68: {  	_ =	shalt  }
0x69: {  	_ =	shalt  }
0x6a: {  	_ =	shalt  }
0x6b: {  	_ =	shalt  }
0x6c: {  	_ =	shalt  }
0x6d: {  	_ =	shalt  }
0x6e: {  	_ =	shalt  }
0x6f: {  	_ =	shalt  }
0x70: {  	_ =	shalt  }
0x71: {  	_ =	shalt  }
0x72: {  	_ =	shalt  }
0x73: {  	_ =	shalt  }
0x74: {  	_ =	shalt  }
0x75: {  	_ =	shalt  }
0x76: {  	_ =	shalt  }
0x77: {  	_ =	shalt  }
0x78: {  	_ =	shalt  }
0x79: {  	_ =	shalt  }
0x7a: {  	_ =	shalt  }
0x7b: {  	_ =	shalt  }
0x7c: {  	_ =	shalt  }
0x7d: {  	_ =	shalt  }
0x7e: {  	_ =	shalt  }
0x7f: {  	_ =	shalt  }
0x80: {  	_ =	shalt  }
0x81: {  	_ =	shalt  }
0x82: {  	_ =	shalt  }
0x83: {  	_ =	shalt  }
0x84: {  	_ =	shalt  }
0x85: {  	_ =	shalt  }
0x86: {  	_ =	shalt  }
0x87: {  	_ =	shalt  }
.Lfunc_end0:
.L_simem_size_0:
called_computation.1_lowered:
.L_overlay_start_0:
0x88: {  	s2 =	sld [smem:$0x3FD9]  }
0x89: {  	s3 =	sld [smem:$0x3FFE];
	_ =	sdelay $0x1  }
0x8a: {  	s1 =	srdreg.scid  }
0x8b: {  	s0 =	sand.u32 $0x1, s1  }
0x8c: {  	s17 =	sshll.u32 s0, $0xA;
	s2 =	sadd.s32 s3, s2  }
0x8d: {  	s2 =	sadd.s32 s2, s17  }
0x8e: {  	[smem:$0x3FBB] =	sst s2  }
0x8f: {  	_ = 	snop  }
0x90: {  	s2 =	sld [smem:$0x3FD0];
	(tm) =	ssettm $0x1  }
0x91: {  	s18 =	sld [smem:$0x3FFB];
	_ =	sdelay $0x3  }
0x92: {  	_ =	strace s18  }
0x93: {  	s3 =	sld [smem:$0x3FFC];
	_ =	sdelay $0x3  }
0x94: {  	_ =	strace s3  }
0x95: {  	s3 =	sld [smem:$0x3FFD];
	_ =	sdelay $0x3  }
0x96: {  	_ =	strace s3  }
0x97: {  	_ =	strace $0x8FFFFFFF  }
0x98: {  	s19 =	sld [smem:$0x3FDB];
	_ =	sdelay $0x1  }
0x99: {  	s4 =	simm.s32 $_scs_section_size  }
0x9a: {  	s5 =	simm.s32 $_size__tile_overlayer_lowered;
	s6 =	simm.s32 $_tile_overlayer_lowered  }
0x9b: {  	s22 =	simm.s32 $0x1BFF;
	s21 =	sshll.u32 s6, $0x1;
	s3 =	sadd.s32 s4, s19  }
0x9c: {  	s7 =	simm.s32 $0x0;
	s20 =	sshll.u32 s5, $0x1;
	s5 =	sadd.s32 s21, s3  }
0x9d: {  	[timem:s7], [sflag:s22] =	dma.local [hbm:s5], s20  }
0x9e: {  	_ =	swait.ge [sflag:s22], s20  }
0x9f: {  	s4 =	ssub.s32 $0x0, s20;
	[sflag:s22] =	ssyncset.done $0x0  }
0xa0: {  	[sflag:s22] =	ssyncadd.s32 s4;
	_ =	sdelay $0x1  }
0xa1: {  	s23 =	simm.s32 $0x1B8B  }
0xa2: {  	_ =	swait.ge [sflag:s23], $0x1  }
0xa3: {  	[sflag:s23] =	ssyncset.done $0x0  }
0xa4: {  	s25 =	simm.s32 $0x1B8E;
	s24 =	sld [smem:$0x3FFE];
	[sflag:s23] =	ssyncadd.s32 $0xFFFFFFFF  }
0xa5: {  	s26 =	simm.s32 $execute0_lowered;
	[smem:$0x3FD2] =	sst s25  }
0xa6: {  	s5 =	sshll.u32 s26, $0x1;
	_ =	strace $0x80000049;
	[dreg:$0x1] =	wrdreg $0xFFFFFFFF  }
0xa7: {  	s28 =	simm.s32 $_size_execute0_lowered;
	s3 =	sadd.s32 s3, s5;
	[dreg:$0x0] =	wrdreg $0x0  }
0xa8: {  	s5 =	sshll.u32 s28, $0x1;
	[dreg:$0x2] =	wrdreg s3  }
0xa9: {  	[dreg:$0x3] =	wrdreg s5  }
0xaa: {  	[dreg:$0x4] =	wrdreg $0xC0  }
0xab: {  	_ =	task [dreg:s7], $0x5FFFF  }
0xac: {  	[dreg:$0x1] =	wrdreg $0xFFFFFFFF  }
0xad: {  	[dreg:$0x0] =	wrdreg $0x60  }
0xae: {  	[dreg:$0x2] =	wrdreg s24  }
0xaf: {  	[dreg:$0x3] =	wrdreg s2  }
0xb0: {  	[dreg:$0x4] =	wrdreg $0x90000  }
0xb1: {  	[dreg:$0x5] =	wrdreg $0xA0000  }
0xb2: {  	[dreg:$0x6] =	wrdreg $0xB0000  }
0xb3: {  	[dreg:$0x7] =	wrdreg $0x9  }
0xb4: {  	_ =	task.clear_ibuf [dreg:s7], $0x8FFFF;
	_ =	strace $0x90000049  }
0xb5: {  	s29 =	simm.s32 $0x9;
	_ =	strace $0x8000004B  }
0xb6: {  	_ =	swait.ge [sflag:s29], $0x1  }
0xb7: {  	[sflag:s29] =	ssyncadd.s32 $0xFFFFFFFF  }
0xb8: {  	_ =	strace $0x9000004B  }
0xb9: {  	_ =	sfence  }
0xba: {  	s30 =	sld [smem:$0x0];
	_ =	sdelay $0x2  }
0xbb: {  	s31 =	sshll.u32 s1, $0xD;
	s1 =	sshrl.u32 s1, $0x2  }
0xbc: {  	s3 =	sand.u32 $0x4000, s31;
	s1 =	sadd.s32 s1, s30  }
0xbd: {  	s0 =	sor.u32 s3, s0;
	s1 =	sshll.u32 s1, $0x11  }
0xbe: {  	s0 =	sor.u32 s1, s0  }
0xbf: {  	s0 =	sadd.s32 $0x8F2B, s0  }
0xc0: {  	[sflag:s0] =	ssyncadd.remote.s32 $0x1  }
0xc1: {  	_ =	sfence.sel $0xFFFF  }
0xc2: {  	[dreg:$0x0] =	wrdreg $0xFFFFFFFF;
	(pc) =	sbr.abs _section_cstart, $3  }
0xc3: {  	[dreg:$0x1] =	wrdreg $0xFFFFFFFF  }
0xc4: {  	_ =	task.clear_ibuf [dreg:s7], $0x2FFFF;
	_ =	strace $0x9FFFFFFF  }
0xc5: {  	(tm) =	ssettm $0x7FFFFFFF  }
tec
execute0_lowered:
.L_overlay_start_1:
0x0: {  	(tag) =	ssettag $0x1  }
0x1: {  	s0 =	rddreg [dreg:$0x0]  }
0x2: {  	s2 =	rddreg [dreg:$0x2]  }
0x3: {  	s1 =	srdreg.scid;
	s4 =	rddreg [dreg:$0x3]  }
0x4: {  	s13 =	stileid.u32;
	s5 =	rddreg [dreg:$0x4]  }
0x5: {  	s6 =	simm.s32 $0x0;
	s17 =	simm.s32 $0xB;
	s19 =	simm.s32 $0x7800  }
0x6: {  	s28 =	simm.s32 $0x3;
	s30 =	simm.s32 $0x3000;
	s31 =	simm.s32 $0x6000  }
0x7: {  	s14 =	simm.s32 $0x8;
	s15 =	simm.s32 $0x9;
	s16 =	simm.s32 $0xA  }
0x8: {  	s1 =	sand.u32 $0x1, s1;
	s3 =	sshll.u32 s13, $0x1;
	[smem:$0x7FF] =	sst s6  }
0x9: {  	s7 =	sadd.s32 $0xAC00, s0;
	s9 =	sshll.u32 s13, $0xC;
	s8 =	sadd.s32 $0x2E00, s0  }
0xa: {  	s11 =	sshll.u32 s13, $0x9;
	s26 =	sshll.u32 s13, $0x6;
	s13 =	simm.s32 $0x6  }
0xb: {  	s3 =	sor.u32 s1, s3;
	_ =	strace $0x8000004A;
	s10 =	sshll.u32 s1, $0x10  }
0xc: {  	s1 =	ssub.s32 $0x2, s1;
	s11 =	sadd.s32 s11, s0;
	s21 =	sadd.s32 s9, s2  }
0xd: {  	s22 =	sadd.s32 s9, s4;
	s3 =	smul.u32 $0x180, s3;
	s10 =	sor.u32 s9, s10  }
0xe: {  	s12 =	sshrl.u32 s1, $0x1;
	s11 =	sadd.s32 $0x12A00, s11;
	s9 =	sadd.s32 s9, s5  }
0xf: {  	s29 =	sshrl.u32 s22, $0x3;
	s1 =	ssub.s32 s1, s12;
	[dreg:$0x8] =	wrdreg s9  }
0x10: {  	[dreg:$0xd] =	wrdreg s29;
	s3 =	sadd.s32 s3, s0;
	s25 =	smax.u32 s1, $0x1  }
0x11: {  	s10 =	sshrl.u32 s10, $0x3;
	s20 =	sadd.s32 $0x6DE00, s3;
	[dreg:$0xc] =	wrdreg s25  }
0x12: {  	s0 =	sadd.s32 s10, s0;
	s3 =	sadd.s32 $0x6AE00, s3;
	[dreg:$0x6] =	wrdreg s20  }
0x13: {  	s21 =	sshrl.u32 s21, $0x3;
	s23 =	sadd.s32 $0x14A00, s0;
	[dreg:$0x7] =	wrdreg s3  }
0x14: {  	s9 =	simm.s32 $0x7;
	s24 =	sadd.s32 $0x18A00, s0;
	[dreg:$0x9] =	wrdreg s23  }
0x15: {  	s12 =	simm.s32 $0x0;
	s0 =	sadd.s32 $0x1CA00, s0;
	[dreg:$0xa] =	wrdreg s24  }
0x16: {  	s1 =	simm.s32 $0x5;
	s25 =	simm.s32 $0x4800;
	[dreg:$0xb] =	wrdreg s0  }
0x17: {  	s20 =	sor.u32 $0x1C0B, s26;
	s23 =	simm.s32 $0x30;
	s24 =	simm.s32 $0x1800  }
0x18: {  	s26 =	simm.s32 $0x1;
	s3 =	simm.s32 $0x2;
	s0 =	simm.s32 $0x4  }
.LBB2_1:
0x19: {  	s10 =	rddreg [dreg:$0x6];
	s6 =	simm.s32 $0x0  }
0x1a: {  	[tilespmem:s6], [sflag:$0xB] =	stream.linear.gather [hbm4b:s10+s6], $0xC00, $0x38;
	[tilespmem:$0xC000] =	vst v63  }
0x1b: {  	_ =	swait.ge [sflag:s17], $0xC00  }
0x1c: {  	[sflag:s17] =	ssyncset.done $0x0  }
0x1d: {  	s18 =	simm.s32 $0xC00;
	s22 =	rddreg [dreg:$0x7];
	[sflag:s17] =	ssyncadd.s32 $0xFFFFF400  }
0x1e: {  	[tilespmem:s18], [sflag:$0xB] =	stream.linear.gather [hbm4b:s22+s6], $0xC00, $0x38;
	[tilespmem:$0xC000] =	vst v63  }
0x1f: {  	_ =	swait.ge [sflag:s17], $0xC00  }
0x20: {  	[sflag:s17] =	ssyncset.done $0x0  }
0x21: {  	[sflag:s17] =	ssyncadd.s32 $0xFFFFF400  }
0x22: {  	s22 =	rddreg [dreg:$0x1]  }
0x23: {  	[tilespmem:s19], [sflag:$0xB] =	stream.linear.gather [hbm4b:s22+s6], $0x1800, $0x38;
	[tilespmem:$0xC000] =	vst v63  }
0x24: {  	_ =	swait.ge [sflag:s17], $0x1800  }
0x25: {  	[sflag:s17] =	ssyncset.done $0x0  }
0x26: {  	[sflag:s17] =	ssyncadd.s32 $0xFFFFE800  }
0x27: {  	[spmem:s21], [sflag:s20] =	dma.local [hbm:s11], $0x200  }
0x28: {  	_ =	swait.ge [sflag:s17], $0x200  }
0x29: {  	[sflag:s17] =	ssyncset.done $0x0  }
0x2a: {  	[sflag:s17] =	ssyncadd.s32 $0xFFFFFE00  }
0x2b: {  	[spmem:s29], [sflag:s20] =	dma.local [hbm:s11], $0x200  }
0x2c: {  	_ =	swait.ge [sflag:s17], $0x200  }
0x2d: {  	s22 =	smov.u32 s21;
	[sflag:s17] =	ssyncset.done $0x0;
	s21 =	rddreg [dreg:$0x8]  }
0x2e: {  	[sflag:s17] =	ssyncadd.s32 $0xFFFFFE00;
	s10 =	sshrl.u32 s21, $0x3  }
0x2f: {  	[spmem:s10], [sflag:s20] =	dma.local [hbm:s11], $0x200  }
0x30: {  	_ =	swait.ge [sflag:s17], $0x200  }
0x31: {  	[sflag:s17] =	ssyncset.done $0x0  }
0x32: {  	[sflag:s17] =	ssyncadd.s32 $0xFFFFFE00  }
0x33: {  	[bflag:$0x0] =	sbarrier.arrive $0xFFFF  }
0x34: {  	[tilespmem:s24], [sflag:$0x1] =	stream.indirect.gather [hbm4b:s7+s23], $0x80, s6, s23, $0xb8;
	[tilespmem:$0xC000] =	vst v63  }
0x35: {  	_ = 	snop  }
0x36: {  	[tilespmem:s25], [sflag:$0x3] =	stream.indirect.gather [hbm4b:s8+s23], $0x80, s6, s23, $0xb8;
	[tilespmem:$0xC000] =	vst v63  }
0x37: {  	_ =	swait.ge [sflag:s26], $0x1800  }
0x38: {  	[sflag:s26] =	ssyncset.done $0x0  }
0x39: {  	[sflag:s26] =	ssyncadd.s32 $0xFFFFE800  }
0x3a: {  	_ =	swait.ge [sflag:s28], $0x1800  }
0x3b: {  	[sflag:s28] =	ssyncset.done $0x0  }
0x3c: {  	s21 =	simm.s32 $0x80;
	[sflag:s28] =	ssyncadd.s32 $0xFFFFE800  }
0x3d: {  	[tilespmem:s30], [sflag:$0x2] =	stream.indirect.gather [hbm4b:s7+s23], $0x80, s21, s23, $0xb8;
	[tilespmem:$0xC000] =	vst v63  }
0x3e: {  	_ = 	snop  }
0x3f: {  	[tilespmem:s31], [sflag:$0x4] =	stream.indirect.gather [hbm4b:s8+s23], $0x80, s21, s23, $0xb8;
	[tilespmem:$0xC000] =	vst v63  }
0x40: {  	_ = 	snop  }
0x41: {  	[spmem:s2] =	stream.indirect.scatter.add.f32 [tilespmem:s24], [sflag:$0x5], $0x80, s18, s23, $0xb8;
	[tilespmem:$0xC000] =	vst v63  }
0x42: {  	_ = 	snop  }
0x43: {  	[spmem:s4] =	stream.indirect.scatter.add.f32 [tilespmem:s25], [sflag:$0x7], $0x80, s18, s23, $0xb8;
	[tilespmem:$0xC000] =	vst v63  }
0x44: {  	_ = 	snop  }
0x45: {  	[spmem:s5] =	stream.indirect.scatter.add.f32 [tilespmem:s19], [sflag:$0x9], $0x80, s18, s23, $0xb8;
	[tilespmem:$0xC000] =	vst v63  }
0x46: {  	_ =	swait.ge [sflag:s3], $0x1800  }
0x47: {  	[sflag:s3] =	ssyncset.done $0x0  }
0x48: {  	[sflag:s3] =	ssyncadd.s32 $0xFFFFE800  }
0x49: {  	_ =	swait.ge [sflag:s0], $0x1800  }
0x4a: {  	[sflag:s0] =	ssyncset.done $0x0  }
0x4b: {  	[sflag:s0] =	ssyncadd.s32 $0xFFFFE800  }
0x4c: {  	_ =	swait.ge [sflag:s1], $0x1800  }
0x4d: {  	[sflag:s1] =	ssyncset.done $0x0  }
0x4e: {  	[sflag:s1] =	ssyncadd.s32 $0xFFFFE800  }
0x4f: {  	_ =	swait.ge [sflag:s9], $0x1800  }
0x50: {  	[sflag:s9] =	ssyncset.done $0x0  }
0x51: {  	s21 =	simm.s32 $0x100;
	[sflag:s9] =	ssyncadd.s32 $0xFFFFE800  }
0x52: {  	[tilespmem:s24], [sflag:$0x1] =	stream.indirect.gather [hbm4b:s7+s23], $0x80, s21, s23, $0xb8;
	[tilespmem:$0xC000] =	vst v63  }
0x53: {  	_ = 	snop  }
0x54: {  	[tilespmem:s25], [sflag:$0x3] =	stream.indirect.gather [hbm4b:s8+s23], $0x80, s21, s23, $0xb8;
	[tilespmem:$0xC000] =	vst v63  }
0x55: {  	s18 =	simm.s32 $0xC80  }
0x56: {  	[spmem:s2] =	stream.indirect.scatter.add.f32 [tilespmem:s30], [sflag:$0x6], $0x80, s18, s23, $0xb8;
	[tilespmem:$0xC000] =	vst v63  }
0x57: {  	_ = 	snop  }
0x58: {  	[spmem:s4] =	stream.indirect.scatter.add.f32 [tilespmem:s31], [sflag:$0x8], $0x80, s18, s23, $0xb8;
	[tilespmem:$0xC000] =	vst v63  }
0x59: {  	_ = 	snop  }
0x5a: {  	[spmem:s5] =	stream.indirect.scatter.add.f32 [tilespmem:s19], [sflag:$0xA], $0x80, s18, s23, $0xb8;
	[tilespmem:$0xC000] =	vst v63  }
0x5b: {  	_ =	swait.ge [sflag:s26], $0x1800  }
0x5c: {  	[sflag:s26] =	ssyncset.done $0x0  }
0x5d: {  	[sflag:s26] =	ssyncadd.s32 $0xFFFFE800  }
0x5e: {  	_ =	swait.ge [sflag:s28], $0x1800  }
0x5f: {  	[sflag:s28] =	ssyncset.done $0x0  }
0x60: {  	[sflag:s28] =	ssyncadd.s32 $0xFFFFE800  }
0x61: {  	_ =	swait.ge [sflag:s13], $0x1800  }
0x62: {  	[sflag:s13] =	ssyncset.done $0x0  }
0x63: {  	[sflag:s13] =	ssyncadd.s32 $0xFFFFE800  }
0x64: {  	_ =	swait.ge [sflag:s14], $0x1800  }
0x65: {  	[sflag:s14] =	ssyncset.done $0x0  }
0x66: {  	s21 =	simm.s32 $0x180;
	[sflag:s14] =	ssyncadd.s32 $0xFFFFE800  }
0x67: {  	[tilespmem:s30], [sflag:$0x2] =	stream.indirect.gather [hbm4b:s7+s23], $0x80, s21, s23, $0xb8;
	[tilespmem:$0xC000] =	vst v63  }
0x68: {  	_ = 	snop  }
0x69: {  	[tilespmem:s31], [sflag:$0x4] =	stream.indirect.gather [hbm4b:s8+s23], $0x80, s21, s23, $0xb8;
	[tilespmem:$0xC000] =	vst v63  }
0x6a: {  	s6 =	simm.s32 $0xD00  }
0x6b: {  	[spmem:s2] =	stream.indirect.scatter.add.f32 [tilespmem:s24], [sflag:$0x5], $0x80, s6, s23, $0xb8;
	[tilespmem:$0xC000] =	vst v63  }
0x6c: {  	_ = 	snop  }
0x6d: {  	[spmem:s4] =	stream.indirect.scatter.add.f32 [tilespmem:s25], [sflag:$0x7], $0x80, s6, s23, $0xb8;
	[tilespmem:$0xC000] =	vst v63  }
0x6e: {  	_ =	swait.ge [sflag:s15], $0x1800  }
0x6f: {  	[sflag:s15] =	ssyncset.done $0x0  }
0x70: {  	[sflag:s15] =	ssyncadd.s32 $0xFFFFE800  }
0x71: {  	[spmem:s5] =	stream.indirect.scatter.add.f32 [tilespmem:s19], [sflag:$0x9], $0x80, s6, s23, $0xb8;
	[tilespmem:$0xC000] =	vst v63  }
0x72: {  	_ =	swait.ge [sflag:s3], $0x1800  }
0x73: {  	[sflag:s3] =	ssyncset.done $0x0  }
0x74: {  	[sflag:s3] =	ssyncadd.s32 $0xFFFFE800  }
0x75: {  	_ =	swait.ge [sflag:s0], $0x1800  }
0x76: {  	[sflag:s0] =	ssyncset.done $0x0  }
0x77: {  	[sflag:s0] =	ssyncadd.s32 $0xFFFFE800  }
0x78: {  	_ =	swait.ge [sflag:s1], $0x1800  }
0x79: {  	[sflag:s1] =	ssyncset.done $0x0  }
0x7a: {  	[sflag:s1] =	ssyncadd.s32 $0xFFFFE800  }
0x7b: {  	_ =	swait.ge [sflag:s9], $0x1800  }
0x7c: {  	[sflag:s9] =	ssyncset.done $0x0  }
0x7d: {  	s21 =	simm.s32 $0x200;
	[sflag:s9] =	ssyncadd.s32 $0xFFFFE800  }
0x7e: {  	[tilespmem:s24], [sflag:$0x1] =	stream.indirect.gather [hbm4b:s7+s23], $0x80, s21, s23, $0xb8;
	[tilespmem:$0xC000] =	vst v63  }
0x7f: {  	_ = 	snop  }
0x80: {  	[tilespmem:s25], [sflag:$0x3] =	stream.indirect.gather [hbm4b:s8+s23], $0x80, s21, s23, $0xb8;
	[tilespmem:$0xC000] =	vst v63  }
0x81: {  	s18 =	simm.s32 $0xD80  }
0x82: {  	[spmem:s2] =	stream.indirect.scatter.add.f32 [tilespmem:s30], [sflag:$0x6], $0x80, s18, s23, $0xb8;
	[tilespmem:$0xC000] =	vst v63  }
0x83: {  	_ = 	snop  }
0x84: {  	[spmem:s4] =	stream.indirect.scatter.add.f32 [tilespmem:s31], [sflag:$0x8], $0x80, s18, s23, $0xb8;
	[tilespmem:$0xC000] =	vst v63  }
0x85: {  	_ =	swait.ge [sflag:s16], $0x1800  }
0x86: {  	[sflag:s16] =	ssyncset.done $0x0  }
0x87: {  	s29 =	simm.s32 $0xFFFFDC00;
	[sflag:s16] =	ssyncadd.s32 $0xFFFFE800  }
.LBB2_2:
0x88: {  	[spmem:s5] =	stream.indirect.scatter.add.f32 [tilespmem:s19], [sflag:$0xA], $0x80, s18, s23, $0xb8;
	[tilespmem:$0xC000] =	vst v63  }
0x89: {  	s18 =	smov.u32 s29  }
0x8a: {  	p0 =	sne.s32 s29, $0xFFFFFC00;
	s29 =	sadd.s32 $0x400, s29;
	_ =	swait.ge [sflag:s26], $0x1800  }
0x8b: {  	[sflag:s26] =	ssyncset.done $0x0  }
0x8c: {  	[sflag:s26] =	ssyncadd.s32 $0xFFFFE800  }
0x8d: {  	_ =	swait.ge [sflag:s28], $0x1800  }
0x8e: {  	[sflag:s28] =	ssyncset.done $0x0  }
0x8f: {  	[sflag:s28] =	ssyncadd.s32 $0xFFFFE800  }
0x90: {  	_ =	swait.ge [sflag:s13], $0x1800  }
0x91: {  	[sflag:s13] =	ssyncset.done $0x0  }
0x92: {  	[sflag:s13] =	ssyncadd.s32 $0xFFFFE800  }
0x93: {  	_ =	swait.ge [sflag:s14], $0x1800  }
0x94: {  	s18 =	sshra.s32 s18, $0x2;
	[sflag:s14] =	ssyncset.done $0x0  }
0x95: {  	s21 =	sadd.s32 $0xB80, s18;
	[sflag:s14] =	ssyncadd.s32 $0xFFFFE800  }
0x96: {  	[tilespmem:s30], [sflag:$0x2] =	stream.indirect.gather [hbm4b:s7+s23], $0x80, s21, s23, $0xb8;
	[tilespmem:$0xC000] =	vst v63  }
0x97: {  	_ = 	snop  }
0x98: {  	[tilespmem:s31], [sflag:$0x4] =	stream.indirect.gather [hbm4b:s8+s23], $0x80, s21, s23, $0xb8;
	[tilespmem:$0xC000] =	vst v63  }
0x99: {  	s21 =	sadd.s32 $0x1700, s18  }
0x9a: {  	[spmem:s2] =	stream.indirect.scatter.add.f32 [tilespmem:s24], [sflag:$0x5], $0x80, s21, s23, $0xb8;
	[tilespmem:$0xC000] =	vst v63  }
0x9b: {  	_ = 	snop  }
0x9c: {  	[spmem:s4] =	stream.indirect.scatter.add.f32 [tilespmem:s25], [sflag:$0x7], $0x80, s21, s23, $0xb8;
	[tilespmem:$0xC000] =	vst v63  }
0x9d: {  	_ =	swait.ge [sflag:s15], $0x1800  }
0x9e: {  	[sflag:s15] =	ssyncset.done $0x0  }
0x9f: {  	[sflag:s15] =	ssyncadd.s32 $0xFFFFE800  }
0xa0: {  	[spmem:s5] =	stream.indirect.scatter.add.f32 [tilespmem:s19], [sflag:$0x9], $0x80, s21, s23, $0xb8;
	[tilespmem:$0xC000] =	vst v63  }
0xa1: {  	_ =	swait.ge [sflag:s3], $0x1800  }
0xa2: {  	[sflag:s3] =	ssyncset.done $0x0  }
0xa3: {  	[sflag:s3] =	ssyncadd.s32 $0xFFFFE800  }
0xa4: {  	_ =	swait.ge [sflag:s0], $0x1800  }
0xa5: {  	[sflag:s0] =	ssyncset.done $0x0  }
0xa6: {  	[sflag:s0] =	ssyncadd.s32 $0xFFFFE800  }
0xa7: {  	_ =	swait.ge [sflag:s1], $0x1800  }
0xa8: {  	[sflag:s1] =	ssyncset.done $0x0  }
0xa9: {  	[sflag:s1] =	ssyncadd.s32 $0xFFFFE800  }
0xaa: {  	_ =	swait.ge [sflag:s9], $0x1800  }
0xab: {  	[sflag:s9] =	ssyncset.done $0x0  }
0xac: {  	s21 =	sadd.s32 $0xC00, s18;
	[sflag:s9] =	ssyncadd.s32 $0xFFFFE800  }
0xad: {  	[tilespmem:s24], [sflag:$0x1] =	stream.indirect.gather [hbm4b:s7+s23], $0x80, s21, s23, $0xb8;
	[tilespmem:$0xC000] =	vst v63  }
0xae: {  	_ = 	snop  }
0xaf: {  	[tilespmem:s25], [sflag:$0x3] =	stream.indirect.gather [hbm4b:s8+s23], $0x80, s21, s23, $0xb8;
	[tilespmem:$0xC000] =	vst v63  }
0xb0: {  	s18 =	sadd.s32 $0x1780, s18  }
0xb1: {  	[spmem:s2] =	stream.indirect.scatter.add.f32 [tilespmem:s30], [sflag:$0x6], $0x80, s18, s23, $0xb8;
	[tilespmem:$0xC000] =	vst v63  }
.Ltmp0:
0xb2: {  	(pc) =	sbr.rel @p0 .LBB2_2-.Ltmp0, $4  }
0xb3: {  	[spmem:s4] =	stream.indirect.scatter.add.f32 [tilespmem:s31], [sflag:$0x8], $0x80, s18, s23, $0xb8;
	[tilespmem:$0xC000] =	vst v63  }
0xb4: {  	_ =	swait.ge [sflag:s16], $0x1800  }
0xb5: {  	[sflag:s16] =	ssyncset.done $0x0  }
0xb6: {  	[sflag:s16] =	ssyncadd.s32 $0xFFFFE800  }
0xb7: {  	[spmem:s5] =	stream.indirect.scatter.add.f32 [tilespmem:s19], [sflag:$0xA], $0x80, s18, s23, $0xb8;
	[tilespmem:$0xC000] =	vst v63  }
0xb8: {  	_ =	swait.ge [sflag:s26], $0x1800  }
0xb9: {  	[sflag:s26] =	ssyncset.done $0x0  }
0xba: {  	[sflag:s26] =	ssyncadd.s32 $0xFFFFE800  }
0xbb: {  	_ =	swait.ge [sflag:s28], $0x1800  }
0xbc: {  	[sflag:s28] =	ssyncset.done $0x0  }
0xbd: {  	[sflag:s28] =	ssyncadd.s32 $0xFFFFE800  }
0xbe: {  	_ =	swait.ge [sflag:s13], $0x1800  }
0xbf: {  	[sflag:s13] =	ssyncset.done $0x0  }
0xc0: {  	[sflag:s13] =	ssyncadd.s32 $0xFFFFE800  }
0xc1: {  	_ =	swait.ge [sflag:s14], $0x1800  }
0xc2: {  	[sflag:s14] =	ssyncset.done $0x0  }
0xc3: {  	s6 =	simm.s32 $0xB80;
	[sflag:s14] =	ssyncadd.s32 $0xFFFFE800  }
0xc4: {  	[tilespmem:s30], [sflag:$0x2] =	stream.indirect.gather [hbm4b:s7+s23], $0x80, s6, s23, $0xb8;
	[tilespmem:$0xC000] =	vst v63  }
0xc5: {  	_ = 	snop  }
0xc6: {  	[tilespmem:s31], [sflag:$0x4] =	stream.indirect.gather [hbm4b:s8+s23], $0x80, s6, s23, $0xb8;
	[tilespmem:$0xC000] =	vst v63  }
0xc7: {  	s18 =	simm.s32 $0x1700  }
0xc8: {  	[spmem:s2] =	stream.indirect.scatter.add.f32 [tilespmem:s24], [sflag:$0x5], $0x80, s18, s23, $0xb8;
	[tilespmem:$0xC000] =	vst v63  }
0xc9: {  	_ = 	snop  }
0xca: {  	[spmem:s4] =	stream.indirect.scatter.add.f32 [tilespmem:s25], [sflag:$0x7], $0x80, s18, s23, $0xb8;
	[tilespmem:$0xC000] =	vst v63  }
0xcb: {  	_ =	swait.ge [sflag:s15], $0x1800  }
0xcc: {  	[sflag:s15] =	ssyncset.done $0x0  }
0xcd: {  	[sflag:s15] =	ssyncadd.s32 $0xFFFFE800  }
0xce: {  	[spmem:s5] =	stream.indirect.scatter.add.f32 [tilespmem:s19], [sflag:$0x9], $0x80, s18, s23, $0xb8;
	[tilespmem:$0xC000] =	vst v63  }
0xcf: {  	_ =	swait.ge [sflag:s3], $0x1800  }
0xd0: {  	[sflag:s3] =	ssyncset.done $0x0  }
0xd1: {  	[sflag:s3] =	ssyncadd.s32 $0xFFFFE800  }
0xd2: {  	_ =	swait.ge [sflag:s0], $0x1800  }
0xd3: {  	[sflag:s0] =	ssyncset.done $0x0  }
0xd4: {  	[sflag:s0] =	ssyncadd.s32 $0xFFFFE800  }
0xd5: {  	_ =	swait.ge [sflag:s1], $0x1800  }
0xd6: {  	[sflag:s1] =	ssyncset.done $0x0  }
0xd7: {  	[sflag:s1] =	ssyncadd.s32 $0xFFFFE800  }
0xd8: {  	_ =	swait.ge [sflag:s9], $0x1800  }
0xd9: {  	[sflag:s9] =	ssyncset.done $0x0  }
0xda: {  	s21 =	simm.s32 $0x1780;
	[sflag:s9] =	ssyncadd.s32 $0xFFFFE800  }
0xdb: {  	[spmem:s2] =	stream.indirect.scatter.add.f32 [tilespmem:s30], [sflag:$0x6], $0x80, s21, s23, $0xb8;
	[tilespmem:$0xC000] =	vst v63  }
0xdc: {  	_ = 	snop  }
0xdd: {  	[spmem:s4] =	stream.indirect.scatter.add.f32 [tilespmem:s31], [sflag:$0x8], $0x80, s21, s23, $0xb8;
	[tilespmem:$0xC000] =	vst v63  }
0xde: {  	_ =	swait.ge [sflag:s16], $0x1800  }
0xdf: {  	[sflag:s16] =	ssyncset.done $0x0  }
0xe0: {  	[sflag:s16] =	ssyncadd.s32 $0xFFFFE800  }
0xe1: {  	[spmem:s5] =	stream.indirect.scatter.add.f32 [tilespmem:s19], [sflag:$0xA], $0x80, s21, s23, $0xb8;
	[tilespmem:$0xC000] =	vst v63  }
0xe2: {  	_ =	swait.ge [sflag:s13], $0x1800  }
0xe3: {  	[sflag:s13] =	ssyncset.done $0x0  }
0xe4: {  	[sflag:s13] =	ssyncadd.s32 $0xFFFFE800  }
0xe5: {  	_ =	swait.ge [sflag:s14], $0x1800  }
0xe6: {  	[sflag:s14] =	ssyncset.done $0x0  }
0xe7: {  	[sflag:s14] =	ssyncadd.s32 $0xFFFFE800  }
0xe8: {  	_ =	swait.ge [sflag:s15], $0x1800  }
0xe9: {  	[sflag:s15] =	ssyncset.done $0x0  }
0xea: {  	[sflag:s15] =	ssyncadd.s32 $0xFFFFE800  }
0xeb: {  	_ =	swait.ge [sflag:s16], $0x1800  }
0xec: {  	[sflag:s16] =	ssyncset.done $0x0  }
0xed: {  	[sflag:s16] =	ssyncadd.s32 $0xFFFFE800  }
0xee: {  	[bflag:$0x0] =	sbarrier.arrive $0xFFFF  }
0xef: {  	s6 =	rddreg [dreg:$0x9]  }
0xf0: {  	[hbm:s6], [sflag:s20] =	dma.local [spmem:s22], $0x200  }
0xf1: {  	_ =	swait.ge [sflag:s17], $0x200  }
0xf2: {  	s21 =	smov.u32 s22;
	[sflag:s17] =	ssyncset.done $0x0;
	s22 =	rddreg [dreg:$0xa]  }
0xf3: {  	s29 =	rddreg [dreg:$0xd];
	[sflag:s17] =	ssyncadd.s32 $0xFFFFFE00  }
0xf4: {  	[hbm:s22], [sflag:s20] =	dma.local [spmem:s29], $0x200  }
0xf5: {  	_ =	swait.ge [sflag:s17], $0x200  }
0xf6: {  	[sflag:s17] =	ssyncset.done $0x0  }
0xf7: {  	s6 =	rddreg [dreg:$0xb];
	[sflag:s17] =	ssyncadd.s32 $0xFFFFFE00  }
0xf8: {  	[hbm:s6], [sflag:s20] =	dma.local [spmem:s10], $0x200  }
0xf9: {  	_ =	swait.ge [sflag:s17], $0x200  }
0xfa: {  	s12 =	sadd.s32 $0x1, s12;
	s22 =	rddreg [dreg:$0xc]  }
0xfb: {  	p0 =	sne.s32 s12, s22  }
.Ltmp1:
0xfc: {  	_ = 	snop;
	(pc) =	sbr.rel @p0 .LBB2_1-.Ltmp1, $3  }
0xfd: {  	_ =	sdelay $0x1  }
0xfe: {  	[sflag:s17] =	ssyncset.done $0x0  }
0xff: {  	[sflag:s17] =	ssyncadd.s32 $0xFFFFFE00  }
0x100: {  	_ =	sfence.sel $0x180000  }
0x101: {  	[bflag:$0x0] =	sbarrier.arrive $0xFFFF  }
0x102: {  	_ =	strace $0x9000004A  }
0x103: {  	s0 =	stileid.u32;
	[bflag:$0x2] =	sbarrier.arrive $0xFFFF  }
0x104: {  	p0 =	sne.s32 s0, $0x0;
	s0 =	rddreg [dreg:$0x5]  }
0x105: {  	s0 =	sadd.s32 @!p0 $0x100000, s0  }
0x106: {  	[sflag:s0] =	ssyncadd.tile.s32 @!p0 $0x1;
	_ =	shalt  }
.Lfunc_end2:
_tile_overlayer_lowered:
.L_overlay_start_2:
0x107: {  	(tag) =	ssettag $0x2  }
0x108: {  	s0 =	rddreg [dreg:$0x0];
	s2 =	stileid.u32  }
0x109: {  	s1 =	rddreg [dreg:$0x1];
	p0 =	sne.s32 s2, $0x0  }
0x10a: {  	s3 =	rddreg [dreg:$0x2];
	[bflag:$0x3] =	sbarrier.arrive $0xFFFF;
	s2 =	simm.s32 @!p0 $0x1C0B  }
0x10b: {  	[timem:s3], [sflag:s2] =	dma.local @!p0 [hbm:s0], s1  }
0x10c: {  	s0 =	simm.s32 @!p0 $0xB  }
0x10d: {  	_ =	swait.ge @!p0 [sflag:s0], s1  }
0x10e: {  	s1 =	ssub.s32 @!p0 $0x0, s1;
	[sflag:s0] =	ssyncset.done @!p0 $0x0  }
0x10f: {  	[sflag:s0] =	ssyncadd.s32 @!p0 s1  }
0x110: {  	[bflag:$0x3] =	sbarrier.arrive $0xFFFF  }
0x111: {  	_ =	shalt  }

</sc_bundles>
